<compile_context>
chip_gen: v7x
topology: tpu7x:2x2x1
jax: 0.10.2.dev20260603
libtpu: 0.0.44.dev20260713+nightly
codegen_flags: <defaults>
</compile_context>

<pallas_src>
import functools

import jax
import jax.numpy as jnp
from jax import lax
import jax.experimental.pallas as pl
from jax.experimental.pallas import tpu as pltpu
from jax.experimental.pallas import tpu_sc as plsc

_NW = 32
_CH = 80
_NB = 4



@functools.partial(jax.jit, static_argnames=("n_rows", "d", "ch", "nb"))
def _sc_gather(table, idx2, *, n_rows, d, ch=128, nb=6):
    per_w = n_rows // _NW
    n_s = per_w // ch
    tail = per_w - n_s * ch
    assert tail % 8 == 0 and ch % 8 == 0
    dt = table.dtype
    mesh = plsc.VectorSubcoreMesh(core_axis_name="c", subcore_axis_name="s")

    scratch = ([pltpu.VMEM((per_w,), jnp.int32)]
               + [pltpu.VMEM((ch, d), dt) for _ in range(nb)]
               + [pltpu.SemaphoreType.DMA for _ in range(2 * nb)])

    @functools.partial(
        pl.kernel, mesh=mesh,
        out_type=jax.ShapeDtypeStruct((n_rows, d), dt),
        scratch_types=scratch,
    )
    def k(table_hbm, idx_hbm, out_hbm, idx_v, *rest):
        bufs = rest[:nb]
        gsem = rest[nb:2 * nb]
        osem = rest[2 * nb:3 * nb]
        wid = lax.axis_index("s") * 2 + lax.axis_index("c")
        base = wid * per_w
        pltpu.sync_copy(idx_hbm.at[wid], idx_v)

        if tail:
            tdesc = pltpu.make_async_copy(
                table_hbm.at[idx_v.at[pl.ds(n_s * ch, tail)]],
                bufs[0].at[pl.ds(0, tail)], gsem[0])
            tdesc.start()
            tdesc.wait()
            pltpu.sync_copy(bufs[0].at[pl.ds(0, tail)],
                            out_hbm.at[pl.ds(base + n_s * ch, tail)])

        def gather_desc(s, b, sem):
            return pltpu.make_async_copy(
                table_hbm.at[idx_v.at[pl.ds(s * ch, ch)]], bufs[b], sem)

        def out_desc(s, b, sem):
            return pltpu.make_async_copy(
                bufs[b], out_hbm.at[pl.ds(base + s * ch, ch)], sem)

        gather_desc(0, 0, gsem[0]).start()

        n_outer = (n_s + nb - 1) // nb

        def outer(t, carry):
            for b in range(nb):
                s = t * nb + b

                @pl.when(s < n_s)
                def _():
                    gather_desc(s, b, gsem[b]).wait()
                    out_desc(s, b, osem[b]).start()
                    sn = s + 1
                    bn = (b + 1) % nb

                    @pl.when(sn < n_s)
                    def _():
                        @pl.when(sn >= nb)
                        def _():
                            out_desc(sn - nb, bn, osem[bn]).wait()
                        gather_desc(sn, bn, gsem[bn]).start()
            return carry

        lax.fori_loop(0, n_outer, outer, 0)
        for s in range(max(0, n_s - nb), n_s):
            out_desc(s, s % nb, osem[s % nb]).wait()

    return k(table, idx2)



def _subcore_ranges(total):
    rpt = -(-total // 16 // 8) * 8
    last = total - 15 * rpt
    assert last > 0 and last % 8 == 0
    return rpt, last


@functools.partial(jax.jit, static_argnames=("n_nodes", "d", "ch"))
def _sc_scatter_add(rows, idx6, zeros, *, n_nodes, d, ch=128):
    n_rows = rows.shape[0]
    half = n_nodes // 2
    acc_rows = half + 8
    per_t = n_rows // 16
    n_s = per_t // ch
    tail = per_t - n_s * ch
    n_chunks = n_s + (1 if tail else 0)
    rpt_i, last_i = _subcore_ranges(acc_rows)
    rpt_o, last_o = _subcore_ranges(half)
    mesh = plsc.VectorSubcoreMesh(core_axis_name="c", subcore_axis_name="s")

    scratch = ([pltpu.VMEM((n_chunks, ch), jnp.int32)]
               + [pltpu.VMEM((ch, d), jnp.float32) for _ in range(_NB)]
               + [pltpu.SemaphoreType.DMA for _ in range(_NB)]
               + [pltpu.VMEM_SHARED((acc_rows, d), jnp.float32)])

    @functools.partial(
        pl.kernel, mesh=mesh,
        out_type=jax.ShapeDtypeStruct((n_nodes, d), jnp.float32),
        scratch_types=scratch,
    )
    def k(rows_hbm, idx_hbm, zeros_hbm, out_hbm, idx_v, *rest):
        bufs = rest[:_NB]
        isem = rest[_NB:2 * _NB]
        acc = rest[2 * _NB]
        cid = lax.axis_index("c")
        sid = lax.axis_index("s")
        base = sid * per_t
        pltpu.sync_copy(idx_hbm.at[cid, sid], idx_v)

        @pl.when(sid < 15)
        def _():
            pltpu.sync_copy(zeros_hbm.at[pl.ds(sid * rpt_i, rpt_i)],
                            acc.at[pl.ds(sid * rpt_i, rpt_i)])

        @pl.when(sid == 15)
        def _():
            pltpu.sync_copy(zeros_hbm.at[pl.ds(15 * rpt_i, last_i)],
                            acc.at[pl.ds(15 * rpt_i, last_i)])

        plsc.subcore_barrier()

        if tail:
            tdesc = pltpu.make_async_copy(
                rows_hbm.at[pl.ds(base + n_s * ch, tail)],
                bufs[0].at[pl.ds(0, tail)], isem[0])
            tdesc.start()
            tdesc.wait()
            pltpu.sync_copy(bufs[0], acc.at[idx_v.at[n_s]], add=True)

        def in_desc(s, b):
            return pltpu.make_async_copy(
                rows_hbm.at[pl.ds(base + s * ch, ch)], bufs[b], isem[b])

        for b in range(_NB):
            if b < n_s:
                in_desc(b, b).start()

        n_outer = (n_s + _NB - 1) // _NB

        def outer(t, carry):
            for b in range(_NB):
                s = t * _NB + b

                @pl.when(s < n_s)
                def _():
                    in_desc(s, b).wait()
                    pltpu.sync_copy(bufs[b], acc.at[idx_v.at[s]], add=True)
                    sn = s + _NB

                    @pl.when(sn < n_s)
                    def _():
                        in_desc(sn, b).start()
            return carry

        lax.fori_loop(0, n_outer, outer, 0)
        plsc.subcore_barrier()

        @pl.when(sid < 15)
        def _():
            pltpu.sync_copy(acc.at[pl.ds(sid * rpt_o, rpt_o)],
                            out_hbm.at[pl.ds(cid * half + sid * rpt_o, rpt_o)])

        @pl.when(sid == 15)
        def _():
            pltpu.sync_copy(acc.at[pl.ds(15 * rpt_o, last_o)],
                            out_hbm.at[pl.ds(cid * half + 15 * rpt_o, last_o)])

    return k(rows, idx6, zeros)



@functools.partial(jax.jit, static_argnames=("n_rows", "n_nodes", "d", "ch"))
def _sc_count(idx6, ones_rows, zeros, *, n_rows, n_nodes, d, ch=128):
    half = n_nodes // 2
    acc_rows = half + 8
    per_t = n_rows // 16
    n_s = -(-per_t // ch)
    rpt_i, last_i = _subcore_ranges(acc_rows)
    rpt_o, last_o = _subcore_ranges(half)
    mesh = plsc.VectorSubcoreMesh(core_axis_name="c", subcore_axis_name="s")

    scratch = [pltpu.VMEM((n_s, ch), jnp.int32),
               pltpu.VMEM((ch, d), jnp.float32),
               pltpu.VMEM_SHARED((acc_rows, d), jnp.float32)]

    @functools.partial(
        pl.kernel, mesh=mesh,
        out_type=jax.ShapeDtypeStruct((n_nodes, d), jnp.float32),
        scratch_types=scratch,
    )
    def k(idx_hbm, ones_hbm, zeros_hbm, out_hbm, idx_v, ones_v, acc):
        cid = lax.axis_index("c")
        sid = lax.axis_index("s")
        pltpu.sync_copy(idx_hbm.at[cid, sid], idx_v)
        pltpu.sync_copy(ones_hbm, ones_v)

        @pl.when(sid < 15)
        def _():
            pltpu.sync_copy(zeros_hbm.at[pl.ds(sid * rpt_i, rpt_i)],
                            acc.at[pl.ds(sid * rpt_i, rpt_i)])

        @pl.when(sid == 15)
        def _():
            pltpu.sync_copy(zeros_hbm.at[pl.ds(15 * rpt_i, last_i)],
                            acc.at[pl.ds(15 * rpt_i, last_i)])

        plsc.subcore_barrier()

        def body(s, carry):
            pltpu.sync_copy(ones_v, acc.at[idx_v.at[s]], add=True)
            return carry

        lax.fori_loop(0, n_s, body, 0)
        plsc.subcore_barrier()

        @pl.when(sid < 15)
        def _():
            pltpu.sync_copy(acc.at[pl.ds(sid * rpt_o, rpt_o)],
                            out_hbm.at[pl.ds(cid * half + sid * rpt_o, rpt_o)])

        @pl.when(sid == 15)
        def _():
            pltpu.sync_copy(acc.at[pl.ds(15 * rpt_o, last_o)],
                            out_hbm.at[pl.ds(cid * half + 15 * rpt_o, last_o)])

    return k(idx6, ones_rows, zeros)



def _tc_dual_proj(h, wa, wb):
    n, din = h.shape
    da = wa.shape[1]
    db = wb.shape[1]
    blk = 2000

    def body(h_ref, wa_ref, wb_ref, oa_ref, ob_ref):
        hb = h_ref[...]
        oa_ref[...] = jnp.dot(hb, wa_ref[...],
                              preferred_element_type=jnp.float32)
        ob_ref[...] = jnp.dot(hb, wb_ref[...],
                              preferred_element_type=jnp.float32)

    return pl.pallas_call(
        body,
        grid=(n // blk,),
        in_specs=[pl.BlockSpec((blk, din), lambda i: (i, 0)),
                  pl.BlockSpec((din, da), lambda i: (0, 0)),
                  pl.BlockSpec((din, db), lambda i: (0, 0))],
        out_specs=[pl.BlockSpec((blk, da), lambda i: (i, 0)),
                   pl.BlockSpec((blk, db), lambda i: (i, 0))],
        out_shape=[jax.ShapeDtypeStruct((n, da), jnp.float32),
                   jax.ShapeDtypeStruct((n, db), jnp.float32)],
    )(h, wa, wb)


def _tc_msg_mlp(gd, gs, e, w1e, b1, w2, b2, w3, b3):
    n, d = gd.shape
    de = e.shape[1]
    blk = 2000

    def body(gd_ref, gs_ref, e_ref, w1e_ref, b1_ref, w2_ref, b2_ref,
             w3_ref, b3_ref, o_ref):
        t = gd_ref[...] + gs_ref[...] + jnp.dot(
            e_ref[...], w1e_ref[...], preferred_element_type=jnp.float32)
        t = jnp.maximum(t + b1_ref[...], 0.0)
        t = jnp.maximum(
            jnp.dot(t, w2_ref[...], preferred_element_type=jnp.float32)
            + b2_ref[...], 0.0)
        o_ref[...] = jnp.dot(
            t, w3_ref[...], preferred_element_type=jnp.float32) + b3_ref[...]

    full = pl.BlockSpec((1, d), lambda i: (0, 0))
    return pl.pallas_call(
        body,
        grid=(n // blk,),
        in_specs=[pl.BlockSpec((blk, d), lambda i: (i, 0)),
                  pl.BlockSpec((blk, d), lambda i: (i, 0)),
                  pl.BlockSpec((blk, de), lambda i: (i, 0)),
                  pl.BlockSpec((de, d), lambda i: (0, 0)),
                  full,
                  pl.BlockSpec((d, d), lambda i: (0, 0)),
                  full,
                  pl.BlockSpec((d, d), lambda i: (0, 0)),
                  full],
        out_specs=pl.BlockSpec((blk, d), lambda i: (i, 0)),
        out_shape=jax.ShapeDtypeStruct((n, d), jnp.float32),
    )(gd, gs, e, w1e, b1.reshape(1, d), w2, b2.reshape(1, d),
      w3, b3.reshape(1, d))


def _layer_norm(v, g, b):
    mu = jnp.mean(v, axis=-1, keepdims=True)
    var = jnp.mean((v - mu) ** 2, axis=-1, keepdims=True)
    return (v - mu) * lax.rsqrt(var + 1e-5) * g + b


def _tc_node_update(h, agg_a, agg_b, counts, ln1g, ln1b, wf1, bf1, wf2,
                    bf2, ln2g, ln2b):
    n, d = h.shape
    dh = wf1.shape[1]
    blk = 2000

    def body(h_ref, pa_ref, pb_ref, c_ref, ln1g_ref, ln1b_ref, wf1_ref,
             bf1_ref, wf2_ref, bf2_ref, ln2g_ref, ln2b_ref, o_ref):
        cnt = c_ref[...][:, 0:1]
        agg = (pa_ref[...] + pb_ref[...]) / jnp.maximum(cnt, 1.0)
        u = _layer_norm(h_ref[...] + agg, ln1g_ref[...], ln1b_ref[...])
        ff = jnp.maximum(
            jnp.dot(u, wf1_ref[...], preferred_element_type=jnp.float32)
            + bf1_ref[...], 0.0)
        ff = jnp.dot(ff, wf2_ref[...], preferred_element_type=jnp.float32) \
            + bf2_ref[...]
        o_ref[...] = _layer_norm(u + ff, ln2g_ref[...], ln2b_ref[...])

    vec = pl.BlockSpec((1, d), lambda i: (0, 0))
    return pl.pallas_call(
        body,
        grid=(n // blk,),
        in_specs=[pl.BlockSpec((blk, d), lambda i: (i, 0)),
                  pl.BlockSpec((blk, d), lambda i: (i, 0)),
                  pl.BlockSpec((blk, d), lambda i: (i, 0)),
                  pl.BlockSpec((blk, d), lambda i: (i, 0)),
                  vec, vec,
                  pl.BlockSpec((d, dh), lambda i: (0, 0)),
                  pl.BlockSpec((1, dh), lambda i: (0, 0)),
                  pl.BlockSpec((dh, d), lambda i: (0, 0)),
                  vec, vec, vec],
        out_specs=pl.BlockSpec((blk, d), lambda i: (i, 0)),
        out_shape=jax.ShapeDtypeStruct((n, d), jnp.float32),
    )(h, agg_a, agg_b, counts, ln1g.reshape(1, d), ln1b.reshape(1, d), wf1,
      bf1.reshape(1, dh), wf2, bf2.reshape(1, d), ln2g.reshape(1, d),
      ln2b.reshape(1, d))


def _tc_boundary_msg(hd, hs, e, eparams, lne, mparams):
    n, d = hd.shape
    de = e.shape[1]
    blk = 2000
    (u1, c1), (u2, c2), (u3, c3) = eparams
    lng, lnb = lne
    (w1, b1), (w2, b2), (w3, b3) = mparams
    u1s, u1d, u1e = u1[:d], u1[d:2 * d], u1[2 * d:]
    w1d, w1e, w1s = w1[:d], w1[d:d + de], w1[d + de:]

    def body(hd_ref, hs_ref, e_ref, u1s_ref, u1d_ref, u1e_ref, c1_ref,
             u2_ref, c2_ref, u3_ref, c3_ref, lng_ref, lnb_ref,
             w1d_ref, w1e_ref, w1s_ref, b1_ref, w2_ref, b2_ref,
             w3_ref, b3_ref, o_ref):
        hdv = hd_ref[...]
        hsv = hs_ref[...]
        ev = e_ref[...]

        def mm(a, w_ref):
            return jnp.dot(a, w_ref[...], preferred_element_type=jnp.float32)

        t = mm(hsv, u1s_ref) + mm(hdv, u1d_ref) + mm(ev, u1e_ref)
        t = jnp.maximum(t + c1_ref[...], 0.0)
        t = jnp.maximum(mm(t, u2_ref) + c2_ref[...], 0.0)
        t = mm(t, u3_ref) + c3_ref[...]
        e2 = _layer_norm(ev + t, lng_ref[...], lnb_ref[...])

        m = mm(hdv, w1d_ref) + mm(hsv, w1s_ref) + mm(e2, w1e_ref)
        m = jnp.maximum(m + b1_ref[...], 0.0)
        m = jnp.maximum(mm(m, w2_ref) + b2_ref[...], 0.0)
        o_ref[...] = mm(m, w3_ref) + b3_ref[...]

    hb = pl.BlockSpec((blk, d), lambda i: (i, 0))
    eb = pl.BlockSpec((blk, de), lambda i: (i, 0))
    p128 = pl.BlockSpec((d, 128), lambda i: (0, 0))
    p16 = pl.BlockSpec((d, de), lambda i: (0, 0))
    sq = pl.BlockSpec((de, de), lambda i: (0, 0))
    v16 = pl.BlockSpec((1, de), lambda i: (0, 0))
    v128 = pl.BlockSpec((1, d), lambda i: (0, 0))
    return pl.pallas_call(
        body,
        grid=(n // blk,),
        in_specs=[hb, hb, eb,
                  p16, p16, sq, v16,
                  sq, v16, sq, v16,
                  v16, v16,
                  p128, pl.BlockSpec((de, d), lambda i: (0, 0)), p128, v128,
                  pl.BlockSpec((d, d), lambda i: (0, 0)), v128,
                  pl.BlockSpec((d, d), lambda i: (0, 0)), v128],
        out_specs=hb,
        out_shape=jax.ShapeDtypeStruct((n, d), jnp.float32),
    )(hd, hs, e, u1s, u1d, u1e, c1.reshape(1, de), u2, c2.reshape(1, de),
      u3, c3.reshape(1, de), lng.reshape(1, de), lnb.reshape(1, de),
      w1d, w1e, w1s, b1.reshape(1, d), w2, b2.reshape(1, d),
      w3, b3.reshape(1, d))



def kernel(x, edge_index, edge_attr, params):
    n_nodes = x.shape[1]
    d = x.shape[2]
    de = edge_attr.shape[1]
    n_edges = edge_index.shape[1]
    h = x.reshape(n_nodes, d)
    e = edge_attr
    src = edge_index[0].astype(jnp.int32)
    dst = edge_index[1].astype(jnp.int32)
    eh = n_edges // 2
    per_w = eh // _NW
    src2 = [src[hb * eh:(hb + 1) * eh].reshape(_NW, per_w) for hb in range(2)]
    dst2 = [dst[hb * eh:(hb + 1) * eh].reshape(_NW, per_w) for hb in range(2)]
    ehalf = [e[:eh], e[eh:]]

    half = n_nodes // 2
    dst_lo = jnp.where(dst < half, dst, half)
    dst_hi = jnp.where(dst >= half, dst - half, half)
    sch = 128
    per_t = eh // 16
    n_chunks = -(-per_t // sch)
    pad = n_chunks * sch - per_t

    def mk_idx6(hb):
        a = jnp.stack([dst_lo[hb * eh:(hb + 1) * eh],
                       dst_hi[hb * eh:(hb + 1) * eh]]).reshape(2, 16, per_t)
        a = jnp.pad(a, ((0, 0), (0, 0), (0, pad)), constant_values=half)
        return a.reshape(2, 16, n_chunks, sch)

    idx6 = [mk_idx6(0), mk_idx6(1)]
    zeros_acc = jnp.zeros((half + 8, d), jnp.float32)
    ones_rows = jnp.ones((sch, d), jnp.float32)

    layers = params["layers"]
    n_layers = len(layers)
    mrows = counts = None
    for li, p in enumerate(layers):
        if mrows is None:
            (w1, b1), (w2, b2), (w3, b3) = p["msg"]
            w1d, w1e, w1s = w1[:d], w1[d:d + de], w1[d + de:]
            hd, hs = _tc_dual_proj(h, w1d, w1s)
            g = [(_sc_gather(hd, dst2[hb], n_rows=eh, d=d),
                  _sc_gather(hs, src2[hb], n_rows=eh, d=d))
                 for hb in range(2)]
            idx6c_b, _ = lax.optimization_barrier((idx6[0], g[0][1]))
            counts = [_sc_count(idx6c_b, ones_rows, zeros_acc, n_rows=eh,
                                n_nodes=n_nodes, d=d, ch=sch)]
            idx6c2_b, _ = lax.optimization_barrier((idx6[1], g[1][1]))
            counts.append(_sc_count(idx6c2_b, ones_rows, zeros_acc,
                                    n_rows=eh, n_nodes=n_nodes, d=d, ch=sch))
            mrows = [_tc_msg_mlp(g[hb][0], g[hb][1], ehalf[hb],
                                 w1e, b1, w2, b2, w3, b3) for hb in range(2)]
        aggs = [_sc_scatter_add(mrows[hb], idx6[hb], zeros_acc,
                                n_nodes=n_nodes, d=d) for hb in range(2)]
        if isinstance(counts, list):
            counts = counts[0] + counts[1]
        (wf1, bf1), (wf2, bf2) = p["ff"]
        h = _tc_node_update(h, aggs[0], aggs[1], counts,
                            p["ln1"][0], p["ln1"][1],
                            wf1, bf1, wf2, bf2, p["ln2"][0], p["ln2"][1])
        if li < n_layers - 1:
            r = [(_sc_gather(h, dst2[hb], n_rows=eh, d=d),
                  _sc_gather(h, src2[hb], n_rows=eh, d=d))
                 for hb in range(2)]
            mrows = [_tc_boundary_msg(r[hb][0], r[hb][1], ehalf[hb],
                                      p["edge"], p["ln_e"],
                                      layers[li + 1]["msg"])
                     for hb in range(2)]
    return h.reshape(x.shape)

# --- scband reference (transcript-rebuilt; emitter-appended) ---
"""Pipeline reference for scband-gnn-encoder-26594437497004 (READ-ONLY COPY).

The authoritative reference and input builder live on the scoring server;
editing this copy changes nothing except your own understanding.
"""

import jax, jax.numpy as jnp
import numpy as np

BSZ = 1
N_NODES = 10000
D_NODE = 128
D_EDGE = 16
N_EDGES = 320000
NUM_LAYERS = 2
N_MESSAGE = 3
N_EDGE_LAYERS = 3
FF_HIDDEN = 512


def _init_mlp(key, dims):
    layers = []
    for i in range(len(dims) - 1):
        key, k = jax.random.split(key)
        w = jax.random.normal(k, (dims[i], dims[i + 1]), dtype=jnp.float32) / np.sqrt(dims[i])
        b = jnp.zeros((dims[i + 1],), dtype=jnp.float32)
        layers.append((w, b))
    return key, layers


def _mlp(h, layers):
    for i, (w, b) in enumerate(layers):
        h = h @ w + b
        if i < len(layers) - 1:
            h = jax.nn.relu(h)
    return h


def _layer_norm(h, g, b):
    mu = jnp.mean(h, axis=-1, keepdims=True)
    var = jnp.var(h, axis=-1, keepdims=True)
    return (h - mu) / jnp.sqrt(var + 1e-5) * g + b


def _init_layer(key):
    p = {}
    key, p["msg"] = _init_mlp(key, [2 * D_NODE + D_EDGE] + [D_NODE] * N_MESSAGE)
    p["ln1"] = (jnp.ones((D_NODE,), jnp.float32), jnp.zeros((D_NODE,), jnp.float32))
    key, p["ff"] = _init_mlp(key, [D_NODE, FF_HIDDEN, D_NODE])
    p["ln2"] = (jnp.ones((D_NODE,), jnp.float32), jnp.zeros((D_NODE,), jnp.float32))
    key, p["edge"] = _init_mlp(key, [2 * D_NODE + D_EDGE] + [D_EDGE] * N_EDGE_LAYERS)
    p["ln_e"] = (jnp.ones((D_EDGE,), jnp.float32), jnp.zeros((D_EDGE,), jnp.float32))
    return key, p


def setup_inputs(seed: int = 0) -> dict:
    key = jax.random.key(seed)
    kx, ke, ka, kp = jax.random.split(key, 4)
    x = jax.random.normal(kx, (BSZ, N_NODES, D_NODE), dtype=jnp.float32)
    edge_index = jax.random.randint(ke, (2, N_EDGES), 0, N_NODES)
    edge_attr = jax.random.normal(ka, (N_EDGES, D_EDGE), dtype=jnp.float32)
    layers = []
    k = kp
    for _ in range(NUM_LAYERS):
        k, p = _init_layer(k)
        layers.append(p)
    params = {"layers": layers}
    return {"x": x, "edge_index": edge_index, "edge_attr": edge_attr, "params": params}


def _conv_layer(h, e, src, dst, p):
    # message: gather endpoint node states + edge state, run message MLP
    m_in = jnp.concatenate([h[dst], e, h[src]], axis=-1)
    m = _mlp(m_in, p["msg"])
    n = h.shape[0]
    counts = jnp.zeros((n,), jnp.float32).at[dst].add(1.0)
    agg = jnp.zeros((n, m.shape[-1]), jnp.float32).at[dst].add(m)
    agg = agg / jnp.clip(counts, 1.0)[:, None]
    # node residual update + layernorm
    h = _layer_norm(h + agg, p["ln1"][0], p["ln1"][1])
    # feedforward residual update + layernorm
    ff = _mlp(h, p["ff"])
    h = _layer_norm(h + ff, p["ln2"][0], p["ln2"][1])
    # edge update from new node states
    e_in = jnp.concatenate([h[src], h[dst], e], axis=-1)
    eh = _mlp(e_in, p["edge"])
    e = _layer_norm(e + eh, p["ln_e"][0], p["ln_e"][1])
    return h, e


def reference(x, edge_index, edge_attr, params):
    h = x.reshape(-1, x.shape[-1])
    e = edge_attr
    src = edge_index[0]
    dst = edge_index[1]
    for p in params["layers"]:
        h, e = _conv_layer(h, e, src, dst, p)
    return h.reshape(x.shape)

if __name__ == "__main__":
    import jax
    _d = setup_inputs()
    print(jax.jit(kernel)(*tuple(_d.values())))

</pallas_src>

<mosaic_0001>
#map = affine_map<(d0, d1) -> (0, 0)>
module attributes {stable_mosaic.version = 14 : i64} {
  func.func @k(%arg0: i32, %arg1: i32, %arg2: memref<10000x128xf32, #tpu.memory_space<hbm>>, %arg3: memref<32x5000xi32, #tpu.memory_space<hbm>>, %arg4: memref<160000x128xf32, #tpu.memory_space<hbm>>, %arg5: memref<5000xi32, #tpu.memory_space<vmem>>, %arg6: memref<128x128xf32, #tpu.memory_space<vmem>>, %arg7: memref<128x128xf32, #tpu.memory_space<vmem>>, %arg8: memref<128x128xf32, #tpu.memory_space<vmem>>, %arg9: memref<128x128xf32, #tpu.memory_space<vmem>>, %arg10: memref<128x128xf32, #tpu.memory_space<vmem>>, %arg11: memref<128x128xf32, #tpu.memory_space<vmem>>, %arg12: memref<!tpu.dma_semaphore, #tpu.memory_space<semaphore_mem>>, %arg13: memref<!tpu.dma_semaphore, #tpu.memory_space<semaphore_mem>>, %arg14: memref<!tpu.dma_semaphore, #tpu.memory_space<semaphore_mem>>, %arg15: memref<!tpu.dma_semaphore, #tpu.memory_space<semaphore_mem>>, %arg16: memref<!tpu.dma_semaphore, #tpu.memory_space<semaphore_mem>>, %arg17: memref<!tpu.dma_semaphore, #tpu.memory_space<semaphore_mem>>, %arg18: memref<!tpu.dma_semaphore, #tpu.memory_space<semaphore_mem>>, %arg19: memref<!tpu.dma_semaphore, #tpu.memory_space<semaphore_mem>>, %arg20: memref<!tpu.dma_semaphore, #tpu.memory_space<semaphore_mem>>, %arg21: memref<!tpu.dma_semaphore, #tpu.memory_space<semaphore_mem>>, %arg22: memref<!tpu.dma_semaphore, #tpu.memory_space<semaphore_mem>>, %arg23: memref<!tpu.dma_semaphore, #tpu.memory_space<semaphore_mem>>) attributes {dimension_semantics = [#tpu.dimension_semantics<core_parallel>, #tpu.dimension_semantics<subcore_parallel>], iteration_bounds = array<i64: 2, 16>, scalar_prefetch = 0 : i64, scratch_operands = 19 : i64, tpu.core_type = #tpu.core_type<sc_vector_subcore>, window_params = [{transform_indices = #map}, {transform_indices = #map}, {transform_indices = #map}]} {
    %mul3A = arith.constant 2 : i32
    %mul3A_0 = arith.muli %arg1, %mul3A : i32
    %add3A = arith.addi %mul3A_0, %arg0 : i32
    %mul3A_1 = arith.constant 5000 : i32
    %mul3A_2 = arith.muli %add3A, %mul3A_1 : i32
    "tpu.region"() ({
      %run_scoped3A = tpu.sem_alloc : memref<!tpu.dma_semaphore, #tpu.memory_space<semaphore_mem>>
      %dma_start3A_65 = arith.constant 0 : i32
      %dma_start3A_66 = tpu.memref_slice %arg3[%add3A, %dma_start3A_65] : memref<32x5000xi32, #tpu.memory_space<hbm>> -> memref<1x5000xi32, #tpu.memory_space<hbm>>
      %dma_start3A_67 = tpu.memref_squeeze %dma_start3A_66 : memref<1x5000xi32, #tpu.memory_space<hbm>> -> memref<5000xi32, #tpu.memory_space<hbm>>
      %dma_start3A_68 = arith.constant 0 : i32
      %dma_start3A_69 = tpu.memref_slice %arg3[%add3A, %dma_start3A_68] : memref<32x5000xi32, #tpu.memory_space<hbm>> -> memref<1x5000xi32, #tpu.memory_space<hbm>>
      %dma_start3A_70 = tpu.memref_squeeze %dma_start3A_69 : memref<1x5000xi32, #tpu.memory_space<hbm>> -> memref<5000xi32, #tpu.memory_space<hbm>>
      tpu.enqueue_dma source(%dma_start3A_70 : memref<5000xi32, #tpu.memory_space<hbm>>) target(%arg5 : memref<5000xi32, #tpu.memory_space<vmem>>) target_semaphore(%run_scoped3A : memref<!tpu.dma_semaphore, #tpu.memory_space<semaphore_mem>>)
      %dma_wait3A_71 = arith.constant 0 : i32
      %dma_wait3A_72 = tpu.memref_slice %arg3[%add3A, %dma_wait3A_71] : memref<32x5000xi32, #tpu.memory_space<hbm>> -> memref<1x5000xi32, #tpu.memory_space<hbm>>
      %dma_wait3A_73 = tpu.memref_squeeze %dma_wait3A_72 : memref<1x5000xi32, #tpu.memory_space<hbm>> -> memref<5000xi32, #tpu.memory_space<hbm>>
      %dma_wait3A_74 = arith.constant 0 : i32
      %dma_wait3A_75 = tpu.memref_slice %arg3[%add3A, %dma_wait3A_74] : memref<32x5000xi32, #tpu.memory_space<hbm>> -> memref<1x5000xi32, #tpu.memory_space<hbm>>
      %dma_wait3A_76 = tpu.memref_squeeze %dma_wait3A_75 : memref<1x5000xi32, #tpu.memory_space<hbm>> -> memref<5000xi32, #tpu.memory_space<hbm>>
      tpu.wait_dma2 semaphore(%run_scoped3A : memref<!tpu.dma_semaphore, #tpu.memory_space<semaphore_mem>>) src(%dma_wait3A_76 : memref<5000xi32, #tpu.memory_space<hbm>>) dst(%arg5 : memref<5000xi32, #tpu.memory_space<vmem>>)
      tpu.yield
    }) : () -> ()
    %dma_start3A = arith.constant 0 : i32
    %dma_start3A_3 = arith.constant 0 : i32
    %dma_start3A_4 = tpu.memref_slice %arg6[%dma_start3A, %dma_start3A_3] : memref<128x128xf32, #tpu.memory_space<vmem>> -> memref<8x128xf32, #tpu.memory_space<vmem>>
    %dma_start3A_5 = arith.constant 4992 : i32
    %dma_start3A_6 = tpu.memref_slice %arg5[%dma_start3A_5] : memref<5000xi32, #tpu.memory_space<vmem>> -> memref<8xi32, #tpu.memory_space<vmem>>
    %dma_start3A_7 = arith.constant 0 : i32
    %dma_start3A_8 = arith.constant 0 : i32
    %dma_start3A_9 = tpu.memref_slice %arg2[%dma_start3A_7, %dma_start3A_8] : memref<10000x128xf32, #tpu.memory_space<hbm>> -> memref<10000x128xf32, #tpu.memory_space<hbm>>
    tpu.enqueue_indirect_dma source(%dma_start3A_9 : memref<10000x128xf32, #tpu.memory_space<hbm>>) target(%dma_start3A_4 : memref<8x128xf32, #tpu.memory_space<vmem>>) offsets(%dma_start3A_6 : memref<8xi32, #tpu.memory_space<vmem>>) semaphore(%arg12 : memref<!tpu.dma_semaphore, #tpu.memory_space<semaphore_mem>>)
    %dma_wait3A = arith.constant 0 : i32
    %dma_wait3A_10 = arith.constant 0 : i32
    %dma_wait3A_11 = tpu.memref_slice %arg6[%dma_wait3A, %dma_wait3A_10] : memref<128x128xf32, #tpu.memory_space<vmem>> -> memref<8x128xf32, #tpu.memory_space<vmem>>
    %dma_wait3A_12 = arith.constant 4992 : i32
    %dma_wait3A_13 = tpu.memref_slice %arg5[%dma_wait3A_12] : memref<5000xi32, #tpu.memory_space<vmem>> -> memref<8xi32, #tpu.memory_space<vmem>>
    %dma_wait3A_14 = arith.constant 0 : i32
    %dma_wait3A_15 = arith.constant 0 : i32
    %dma_wait3A_16 = tpu.memref_slice %arg2[%dma_wait3A_14, %dma_wait3A_15] : memref<10000x128xf32, #tpu.memory_space<hbm>> -> memref<10000x128xf32, #tpu.memory_space<hbm>>
    tpu.wait_indirect_dma semaphore(%arg12 : memref<!tpu.dma_semaphore, #tpu.memory_space<semaphore_mem>>) src(%dma_wait3A_16 : memref<10000x128xf32, #tpu.memory_space<hbm>>) dst(%dma_wait3A_11 : memref<8x128xf32, #tpu.memory_space<vmem>>)
    %add3A_17 = arith.constant 4992 : i32
    %add3A_18 = arith.addi %mul3A_2, %add3A_17 : i32
    "tpu.region"() ({
      %run_scoped3A = tpu.sem_alloc : memref<!tpu.dma_semaphore, #tpu.memory_space<semaphore_mem>>
      %dma_start3A_65 = arith.constant 0 : i32
      %dma_start3A_66 = arith.constant 0 : i32
      %dma_start3A_67 = tpu.memref_slice %arg6[%dma_start3A_65, %dma_start3A_66] : memref<128x128xf32, #tpu.memory_space<vmem>> -> memref<8x128xf32, #tpu.memory_space<vmem>>
      %dma_start3A_68 = arith.constant 0 : i32
      %dma_start3A_69 = tpu.memref_slice %arg4[%add3A_18, %dma_start3A_68] : memref<160000x128xf32, #tpu.memory_space<hbm>> -> memref<8x128xf32, #tpu.memory_space<hbm>>
      %dma_start3A_70 = arith.constant 0 : i32
      %dma_start3A_71 = tpu.memref_slice %arg4[%add3A_18, %dma_start3A_70] : memref<160000x128xf32, #tpu.memory_space<hbm>> -> memref<8x128xf32, #tpu.memory_space<hbm>>
      %dma_start3A_72 = arith.constant 0 : i32
      %dma_start3A_73 = arith.constant 0 : i32
      %dma_start3A_74 = tpu.memref_slice %arg6[%dma_start3A_72, %dma_start3A_73] : memref<128x128xf32, #tpu.memory_space<vmem>> -> memref<8x128xf32, #tpu.memory_space<vmem>>
      tpu.enqueue_dma source(%dma_start3A_74 : memref<8x128xf32, #tpu.memory_space<vmem>>) target(%dma_start3A_71 : memref<8x128xf32, #tpu.memory_space<hbm>>) target_semaphore(%run_scoped3A : memref<!tpu.dma_semaphore, #tpu.memory_space<semaphore_mem>>)
      %dma_wait3A_75 = arith.constant 0 : i32
      %dma_wait3A_76 = arith.constant 0 : i32
      %dma_wait3A_77 = tpu.memref_slice %arg6[%dma_wait3A_75, %dma_wait3A_76] : memref<128x128xf32, #tpu.memory_space<vmem>> -> memref<8x128xf32, #tpu.memory_space<vmem>>
      %dma_wait3A_78 = arith.constant 0 : i32
      %dma_wait3A_79 = tpu.memref_slice %arg4[%add3A_18, %dma_wait3A_78] : memref<160000x128xf32, #tpu.memory_space<hbm>> -> memref<8x128xf32, #tpu.memory_space<hbm>>
      %dma_wait3A_80 = arith.constant 0 : i32
      %dma_wait3A_81 = tpu.memref_slice %arg4[%add3A_18, %dma_wait3A_80] : memref<160000x128xf32, #tpu.memory_space<hbm>> -> memref<8x128xf32, #tpu.memory_space<hbm>>
      %dma_wait3A_82 = arith.constant 0 : i32
      %dma_wait3A_83 = arith.constant 0 : i32
      %dma_wait3A_84 = tpu.memref_slice %arg6[%dma_wait3A_82, %dma_wait3A_83] : memref<128x128xf32, #tpu.memory_space<vmem>> -> memref<8x128xf32, #tpu.memory_space<vmem>>
      tpu.wait_dma2 semaphore(%run_scoped3A : memref<!tpu.dma_semaphore, #tpu.memory_space<semaphore_mem>>) src(%dma_wait3A_84 : memref<8x128xf32, #tpu.memory_space<vmem>>) dst(%dma_wait3A_81 : memref<8x128xf32, #tpu.memory_space<hbm>>)
      tpu.yield
    }) : () -> ()
    %dma_start3A_19 = arith.constant 0 : i32
    %dma_start3A_20 = tpu.memref_slice %arg5[%dma_start3A_19] : memref<5000xi32, #tpu.memory_space<vmem>> -> memref<128xi32, #tpu.memory_space<vmem>>
    %dma_start3A_21 = arith.constant 0 : i32
    %dma_start3A_22 = arith.constant 0 : i32
    %dma_start3A_23 = tpu.memref_slice %arg2[%dma_start3A_21, %dma_start3A_22] : memref<10000x128xf32, #tpu.memory_space<hbm>> -> memref<10000x128xf32, #tpu.memory_space<hbm>>
    tpu.enqueue_indirect_dma source(%dma_start3A_23 : memref<10000x128xf32, #tpu.memory_space<hbm>>) target(%arg6 : memref<128x128xf32, #tpu.memory_space<vmem>>) offsets(%dma_start3A_20 : memref<128xi32, #tpu.memory_space<vmem>>) semaphore(%arg12 : memref<!tpu.dma_semaphore, #tpu.memory_space<semaphore_mem>>)
    %scan3A = arith.constant 0 : i32
    %scan3A_24 = arith.constant 0 : i32
    %scan3A_25 = arith.constant 7 : i32
    %scan3A_26 = arith.addi %scan3A_24, %scan3A_25 : i32
    %scan3A_27 = arith.constant 1 : i32
    scf.for %scan3A_65 = %scan3A_24 to %scan3A_26 step %scan3A_27  : i32 {
      %mul3A_66 = arith.constant 6 : i32
      %mul3A_67 = arith.muli %scan3A_65, %mul3A_66 : i32
      %add3A_68 = arith.constant 0 : i32
      %add3A_69 = arith.addi %mul3A_67, %add3A_68 : i32
      %lt3A = arith.constant 39 : i32
      %lt3A_70 = arith.cmpi slt, %add3A_69, %lt3A : i32
      %convert_element_type3A = arith.extui %lt3A_70 : i1 to i32
      %cond3A = arith.constant 0 : i32
      %cond3A_71 = arith.cmpi ne, %convert_element_type3A, %cond3A : i32
      scf.if %cond3A_71 {
        %mul3A_117 = arith.constant 128 : i32
        %mul3A_118 = arith.muli %add3A_69, %mul3A_117 : i32
        %dma_wait3A_119 = tpu.memref_slice %arg5[%mul3A_118] : memref<5000xi32, #tpu.memory_space<vmem>> -> memref<128xi32, #tpu.memory_space<vmem>>
        %dma_wait3A_120 = arith.constant 0 : i32
        %dma_wait3A_121 = arith.constant 0 : i32
        %dma_wait3A_122 = tpu.memref_slice %arg2[%dma_wait3A_120, %dma_wait3A_121] : memref<10000x128xf32, #tpu.memory_space<hbm>> -> memref<10000x128xf32, #tpu.memory_space<hbm>>
        tpu.wait_indirect_dma semaphore(%arg12 : memref<!tpu.dma_semaphore, #tpu.memory_space<semaphore_mem>>) src(%dma_wait3A_122 : memref<10000x128xf32, #tpu.memory_space<hbm>>) dst(%arg6 : memref<128x128xf32, #tpu.memory_space<vmem>>)
        %mul3A_123 = arith.constant 128 : i32
        %mul3A_124 = arith.muli %add3A_69, %mul3A_123 : i32
        %add3A_125 = arith.addi %mul3A_2, %mul3A_124 : i32
        %dma_start3A_126 = arith.constant 0 : i32
        %dma_start3A_127 = tpu.memref_slice %arg4[%add3A_125, %dma_start3A_126] : memref<160000x128xf32, #tpu.memory_space<hbm>> -> memref<128x128xf32, #tpu.memory_space<hbm>>
        %dma_start3A_128 = arith.constant 0 : i32
        %dma_start3A_129 = tpu.memref_slice %arg4[%add3A_125, %dma_start3A_128] : memref<160000x128xf32, #tpu.memory_space<hbm>> -> memref<128x128xf32, #tpu.memory_space<hbm>>
        tpu.enqueue_dma source(%arg6 : memref<128x128xf32, #tpu.memory_space<vmem>>) target(%dma_start3A_129 : memref<128x128xf32, #tpu.memory_space<hbm>>) target_semaphore(%arg18 : memref<!tpu.dma_semaphore, #tpu.memory_space<semaphore_mem>>)
        %add3A_130 = arith.constant 1 : i32
        %add3A_131 = arith.addi %add3A_69, %add3A_130 : i32
        %lt3A_132 = arith.constant 39 : i32
        %lt3A_133 = arith.cmpi slt, %add3A_131, %lt3A_132 : i32
        %convert_element_type3A_134 = arith.extui %lt3A_133 : i1 to i32
        %cond3A_135 = arith.constant 0 : i32
        %cond3A_136 = arith.cmpi ne, %convert_element_type3A_134, %cond3A_135 : i32
        scf.if %cond3A_136 {
          %ge3A = arith.constant 6 : i32
          %ge3A_137 = arith.cmpi sge, %add3A_131, %ge3A : i32
          %convert_element_type3A_138 = arith.extui %ge3A_137 : i1 to i32
          %cond3A_139 = arith.constant 0 : i32
          %cond3A_140 = arith.cmpi ne, %convert_element_type3A_138, %cond3A_139 : i32
          scf.if %cond3A_140 {
            %sub3A = arith.constant 6 : i32
            %sub3A_147 = arith.subi %add3A_131, %sub3A : i32
            %mul3A_148 = arith.constant 128 : i32
            %mul3A_149 = arith.muli %sub3A_147, %mul3A_148 : i32
            %add3A_150 = arith.addi %mul3A_2, %mul3A_149 : i32
            %dma_wait3A_151 = arith.constant 0 : i32
            %dma_wait3A_152 = tpu.memref_slice %arg4[%add3A_150, %dma_wait3A_151] : memref<160000x128xf32, #tpu.memory_space<hbm>> -> memref<128x128xf32, #tpu.memory_space<hbm>>
            %dma_wait3A_153 = arith.constant 0 : i32
            %dma_wait3A_154 = tpu.memref_slice %arg4[%add3A_150, %dma_wait3A_153] : memref<160000x128xf32, #tpu.memory_space<hbm>> -> memref<128x128xf32, #tpu.memory_space<hbm>>
            tpu.wait_dma2 semaphore(%arg19 : memref<!tpu.dma_semaphore, #tpu.memory_space<semaphore_mem>>) src(%arg7 : memref<128x128xf32, #tpu.memory_space<vmem>>) dst(%dma_wait3A_154 : memref<128x128xf32, #tpu.memory_space<hbm>>)
          } else {
          }
          %mul3A_141 = arith.constant 128 : i32
          %mul3A_142 = arith.muli %add3A_131, %mul3A_141 : i32
          %dma_start3A_143 = tpu.memref_slice %arg5[%mul3A_142] : memref<5000xi32, #tpu.memory_space<vmem>> -> memref<128xi32, #tpu.memory_space<vmem>>
          %dma_start3A_144 = arith.constant 0 : i32
          %dma_start3A_145 = arith.constant 0 : i32
          %dma_start3A_146 = tpu.memref_slice %arg2[%dma_start3A_144, %dma_start3A_145] : memref<10000x128xf32, #tpu.memory_space<hbm>> -> memref<10000x128xf32, #tpu.memory_space<hbm>>
          tpu.enqueue_indirect_dma source(%dma_start3A_146 : memref<10000x128xf32, #tpu.memory_space<hbm>>) target(%arg7 : memref<128x128xf32, #tpu.memory_space<vmem>>) offsets(%dma_start3A_143 : memref<128xi32, #tpu.memory_space<vmem>>) semaphore(%arg13 : memref<!tpu.dma_semaphore, #tpu.memory_space<semaphore_mem>>)
        } else {
        }
      } else {
      }
      %mul3A_72 = arith.constant 6 : i32
      %mul3A_73 = arith.muli %scan3A_65, %mul3A_72 : i32
      %add3A_74 = arith.constant 1 : i32
      %add3A_75 = arith.addi %mul3A_73, %add3A_74 : i32
      %lt3A_76 = arith.constant 39 : i32
      %lt3A_77 = arith.cmpi slt, %add3A_75, %lt3A_76 : i32
      %convert_element_type3A_78 = arith.extui %lt3A_77 : i1 to i32
      %cond3A_79 = arith.constant 0 : i32
      %cond3A_80 = arith.cmpi ne, %convert_element_type3A_78, %cond3A_79 : i32
      scf.if %cond3A_80 {
        %mul3A_117 = arith.constant 128 : i32
        %mul3A_118 = arith.muli %add3A_75, %mul3A_117 : i32
        %dma_wait3A_119 = tpu.memref_slice %arg5[%mul3A_118] : memref<5000xi32, #tpu.memory_space<vmem>> -> memref<128xi32, #tpu.memory_space<vmem>>
        %dma_wait3A_120 = arith.constant 0 : i32
        %dma_wait3A_121 = arith.constant 0 : i32
        %dma_wait3A_122 = tpu.memref_slice %arg2[%dma_wait3A_120, %dma_wait3A_121] : memref<10000x128xf32, #tpu.memory_space<hbm>> -> memref<10000x128xf32, #tpu.memory_space<hbm>>
        tpu.wait_indirect_dma semaphore(%arg13 : memref<!tpu.dma_semaphore, #tpu.memory_space<semaphore_mem>>) src(%dma_wait3A_122 : memref<10000x128xf32, #tpu.memory_space<hbm>>) dst(%arg7 : memref<128x128xf32, #tpu.memory_space<vmem>>)
        %mul3A_123 = arith.constant 128 : i32
        %mul3A_124 = arith.muli %add3A_75, %mul3A_123 : i32
        %add3A_125 = arith.addi %mul3A_2, %mul3A_124 : i32
        %dma_start3A_126 = arith.constant 0 : i32
        %dma_start3A_127 = tpu.memref_slice %arg4[%add3A_125, %dma_start3A_126] : memref<160000x128xf32, #tpu.memory_space<hbm>> -> memref<128x128xf32, #tpu.memory_space<hbm>>
        %dma_start3A_128 = arith.constant 0 : i32
        %dma_start3A_129 = tpu.memref_slice %arg4[%add3A_125, %dma_start3A_128] : memref<160000x128xf32, #tpu.memory_space<hbm>> -> memref<128x128xf32, #tpu.memory_space<hbm>>
        tpu.enqueue_dma source(%arg7 : memref<128x128xf32, #tpu.memory_space<vmem>>) target(%dma_start3A_129 : memref<128x128xf32, #tpu.memory_space<hbm>>) target_semaphore(%arg19 : memref<!tpu.dma_semaphore, #tpu.memory_space<semaphore_mem>>)
        %add3A_130 = arith.constant 1 : i32
        %add3A_131 = arith.addi %add3A_75, %add3A_130 : i32
        %lt3A_132 = arith.constant 39 : i32
        %lt3A_133 = arith.cmpi slt, %add3A_131, %lt3A_132 : i32
        %convert_element_type3A_134 = arith.extui %lt3A_133 : i1 to i32
        %cond3A_135 = arith.constant 0 : i32
        %cond3A_136 = arith.cmpi ne, %convert_element_type3A_134, %cond3A_135 : i32
        scf.if %cond3A_136 {
          %ge3A = arith.constant 6 : i32
          %ge3A_137 = arith.cmpi sge, %add3A_131, %ge3A : i32
          %convert_element_type3A_138 = arith.extui %ge3A_137 : i1 to i32
          %cond3A_139 = arith.constant 0 : i32
          %cond3A_140 = arith.cmpi ne, %convert_element_type3A_138, %cond3A_139 : i32
          scf.if %cond3A_140 {
            %sub3A = arith.constant 6 : i32
            %sub3A_147 = arith.subi %add3A_131, %sub3A : i32
            %mul3A_148 = arith.constant 128 : i32
            %mul3A_149 = arith.muli %sub3A_147, %mul3A_148 : i32
            %add3A_150 = arith.addi %mul3A_2, %mul3A_149 : i32
            %dma_wait3A_151 = arith.constant 0 : i32
            %dma_wait3A_152 = tpu.memref_slice %arg4[%add3A_150, %dma_wait3A_151] : memref<160000x128xf32, #tpu.memory_space<hbm>> -> memref<128x128xf32, #tpu.memory_space<hbm>>
            %dma_wait3A_153 = arith.constant 0 : i32
            %dma_wait3A_154 = tpu.memref_slice %arg4[%add3A_150, %dma_wait3A_153] : memref<160000x128xf32, #tpu.memory_space<hbm>> -> memref<128x128xf32, #tpu.memory_space<hbm>>
            tpu.wait_dma2 semaphore(%arg20 : memref<!tpu.dma_semaphore, #tpu.memory_space<semaphore_mem>>) src(%arg8 : memref<128x128xf32, #tpu.memory_space<vmem>>) dst(%dma_wait3A_154 : memref<128x128xf32, #tpu.memory_space<hbm>>)
          } else {
          }
          %mul3A_141 = arith.constant 128 : i32
          %mul3A_142 = arith.muli %add3A_131, %mul3A_141 : i32
          %dma_start3A_143 = tpu.memref_slice %arg5[%mul3A_142] : memref<5000xi32, #tpu.memory_space<vmem>> -> memref<128xi32, #tpu.memory_space<vmem>>
          %dma_start3A_144 = arith.constant 0 : i32
          %dma_start3A_145 = arith.constant 0 : i32
          %dma_start3A_146 = tpu.memref_slice %arg2[%dma_start3A_144, %dma_start3A_145] : memref<10000x128xf32, #tpu.memory_space<hbm>> -> memref<10000x128xf32, #tpu.memory_space<hbm>>
          tpu.enqueue_indirect_dma source(%dma_start3A_146 : memref<10000x128xf32, #tpu.memory_space<hbm>>) target(%arg8 : memref<128x128xf32, #tpu.memory_space<vmem>>) offsets(%dma_start3A_143 : memref<128xi32, #tpu.memory_space<vmem>>) semaphore(%arg14 : memref<!tpu.dma_semaphore, #tpu.memory_space<semaphore_mem>>)
        } else {
        }
      } else {
      }
      %mul3A_81 = arith.constant 6 : i32
      %mul3A_82 = arith.muli %scan3A_65, %mul3A_81 : i32
      %add3A_83 = arith.constant 2 : i32
      %add3A_84 = arith.addi %mul3A_82, %add3A_83 : i32
      %lt3A_85 = arith.constant 39 : i32
      %lt3A_86 = arith.cmpi slt, %add3A_84, %lt3A_85 : i32
      %convert_element_type3A_87 = arith.extui %lt3A_86 : i1 to i32
      %cond3A_88 = arith.constant 0 : i32
      %cond3A_89 = arith.cmpi ne, %convert_element_type3A_87, %cond3A_88 : i32
      scf.if %cond3A_89 {
        %mul3A_117 = arith.constant 128 : i32
        %mul3A_118 = arith.muli %add3A_84, %mul3A_117 : i32
        %dma_wait3A_119 = tpu.memref_slice %arg5[%mul3A_118] : memref<5000xi32, #tpu.memory_space<vmem>> -> memref<128xi32, #tpu.memory_space<vmem>>
        %dma_wait3A_120 = arith.constant 0 : i32
        %dma_wait3A_121 = arith.constant 0 : i32
        %dma_wait3A_122 = tpu.memref_slice %arg2[%dma_wait3A_120, %dma_wait3A_121] : memref<10000x128xf32, #tpu.memory_space<hbm>> -> memref<10000x128xf32, #tpu.memory_space<hbm>>
        tpu.wait_indirect_dma semaphore(%arg14 : memref<!tpu.dma_semaphore, #tpu.memory_space<semaphore_mem>>) src(%dma_wait3A_122 : memref<10000x128xf32, #tpu.memory_space<hbm>>) dst(%arg8 : memref<128x128xf32, #tpu.memory_space<vmem>>)
        %mul3A_123 = arith.constant 128 : i32
        %mul3A_124 = arith.muli %add3A_84, %mul3A_123 : i32
        %add3A_125 = arith.addi %mul3A_2, %mul3A_124 : i32
        %dma_start3A_126 = arith.constant 0 : i32
        %dma_start3A_127 = tpu.memref_slice %arg4[%add3A_125, %dma_start3A_126] : memref<160000x128xf32, #tpu.memory_space<hbm>> -> memref<128x128xf32, #tpu.memory_space<hbm>>
        %dma_start3A_128 = arith.constant 0 : i32
        %dma_start3A_129 = tpu.memref_slice %arg4[%add3A_125, %dma_start3A_128] : memref<160000x128xf32, #tpu.memory_space<hbm>> -> memref<128x128xf32, #tpu.memory_space<hbm>>
        tpu.enqueue_dma source(%arg8 : memref<128x128xf32, #tpu.memory_space<vmem>>) target(%dma_start3A_129 : memref<128x128xf32, #tpu.memory_space<hbm>>) target_semaphore(%arg20 : memref<!tpu.dma_semaphore, #tpu.memory_space<semaphore_mem>>)
        %add3A_130 = arith.constant 1 : i32
        %add3A_131 = arith.addi %add3A_84, %add3A_130 : i32
        %lt3A_132 = arith.constant 39 : i32
        %lt3A_133 = arith.cmpi slt, %add3A_131, %lt3A_132 : i32
        %convert_element_type3A_134 = arith.extui %lt3A_133 : i1 to i32
        %cond3A_135 = arith.constant 0 : i32
        %cond3A_136 = arith.cmpi ne, %convert_element_type3A_134, %cond3A_135 : i32
        scf.if %cond3A_136 {
          %ge3A = arith.constant 6 : i32
          %ge3A_137 = arith.cmpi sge, %add3A_131, %ge3A : i32
          %convert_element_type3A_138 = arith.extui %ge3A_137 : i1 to i32
          %cond3A_139 = arith.constant 0 : i32
          %cond3A_140 = arith.cmpi ne, %convert_element_type3A_138, %cond3A_139 : i32
          scf.if %cond3A_140 {
            %sub3A = arith.constant 6 : i32
            %sub3A_147 = arith.subi %add3A_131, %sub3A : i32
            %mul3A_148 = arith.constant 128 : i32
            %mul3A_149 = arith.muli %sub3A_147, %mul3A_148 : i32
            %add3A_150 = arith.addi %mul3A_2, %mul3A_149 : i32
            %dma_wait3A_151 = arith.constant 0 : i32
            %dma_wait3A_152 = tpu.memref_slice %arg4[%add3A_150, %dma_wait3A_151] : memref<160000x128xf32, #tpu.memory_space<hbm>> -> memref<128x128xf32, #tpu.memory_space<hbm>>
            %dma_wait3A_153 = arith.constant 0 : i32
            %dma_wait3A_154 = tpu.memref_slice %arg4[%add3A_150, %dma_wait3A_153] : memref<160000x128xf32, #tpu.memory_space<hbm>> -> memref<128x128xf32, #tpu.memory_space<hbm>>
            tpu.wait_dma2 semaphore(%arg21 : memref<!tpu.dma_semaphore, #tpu.memory_space<semaphore_mem>>) src(%arg9 : memref<128x128xf32, #tpu.memory_space<vmem>>) dst(%dma_wait3A_154 : memref<128x128xf32, #tpu.memory_space<hbm>>)
          } else {
          }
          %mul3A_141 = arith.constant 128 : i32
          %mul3A_142 = arith.muli %add3A_131, %mul3A_141 : i32
          %dma_start3A_143 = tpu.memref_slice %arg5[%mul3A_142] : memref<5000xi32, #tpu.memory_space<vmem>> -> memref<128xi32, #tpu.memory_space<vmem>>
          %dma_start3A_144 = arith.constant 0 : i32
          %dma_start3A_145 = arith.constant 0 : i32
          %dma_start3A_146 = tpu.memref_slice %arg2[%dma_start3A_144, %dma_start3A_145] : memref<10000x128xf32, #tpu.memory_space<hbm>> -> memref<10000x128xf32, #tpu.memory_space<hbm>>
          tpu.enqueue_indirect_dma source(%dma_start3A_146 : memref<10000x128xf32, #tpu.memory_space<hbm>>) target(%arg9 : memref<128x128xf32, #tpu.memory_space<vmem>>) offsets(%dma_start3A_143 : memref<128xi32, #tpu.memory_space<vmem>>) semaphore(%arg15 : memref<!tpu.dma_semaphore, #tpu.memory_space<semaphore_mem>>)
        } else {
        }
      } else {
      }
      %mul3A_90 = arith.constant 6 : i32
      %mul3A_91 = arith.muli %scan3A_65, %mul3A_90 : i32
      %add3A_92 = arith.constant 3 : i32
      %add3A_93 = arith.addi %mul3A_91, %add3A_92 : i32
      %lt3A_94 = arith.constant 39 : i32
      %lt3A_95 = arith.cmpi slt, %add3A_93, %lt3A_94 : i32
      %convert_element_type3A_96 = arith.extui %lt3A_95 : i1 to i32
      %cond3A_97 = arith.constant 0 : i32
      %cond3A_98 = arith.cmpi ne, %convert_element_type3A_96, %cond3A_97 : i32
      scf.if %cond3A_98 {
        %mul3A_117 = arith.constant 128 : i32
        %mul3A_118 = arith.muli %add3A_93, %mul3A_117 : i32
        %dma_wait3A_119 = tpu.memref_slice %arg5[%mul3A_118] : memref<5000xi32, #tpu.memory_space<vmem>> -> memref<128xi32, #tpu.memory_space<vmem>>
        %dma_wait3A_120 = arith.constant 0 : i32
        %dma_wait3A_121 = arith.constant 0 : i32
        %dma_wait3A_122 = tpu.memref_slice %arg2[%dma_wait3A_120, %dma_wait3A_121] : memref<10000x128xf32, #tpu.memory_space<hbm>> -> memref<10000x128xf32, #tpu.memory_space<hbm>>
        tpu.wait_indirect_dma semaphore(%arg15 : memref<!tpu.dma_semaphore, #tpu.memory_space<semaphore_mem>>) src(%dma_wait3A_122 : memref<10000x128xf32, #tpu.memory_space<hbm>>) dst(%arg9 : memref<128x128xf32, #tpu.memory_space<vmem>>)
        %mul3A_123 = arith.constant 128 : i32
        %mul3A_124 = arith.muli %add3A_93, %mul3A_123 : i32
        %add3A_125 = arith.addi %mul3A_2, %mul3A_124 : i32
        %dma_start3A_126 = arith.constant 0 : i32
        %dma_start3A_127 = tpu.memref_slice %arg4[%add3A_125, %dma_start3A_126] : memref<160000x128xf32, #tpu.memory_space<hbm>> -> memref<128x128xf32, #tpu.memory_space<hbm>>
        %dma_start3A_128 = arith.constant 0 : i32
        %dma_start3A_129 = tpu.memref_slice %arg4[%add3A_125, %dma_start3A_128] : memref<160000x128xf32, #tpu.memory_space<hbm>> -> memref<128x128xf32, #tpu.memory_space<hbm>>
        tpu.enqueue_dma source(%arg9 : memref<128x128xf32, #tpu.memory_space<vmem>>) target(%dma_start3A_129 : memref<128x128xf32, #tpu.memory_space<hbm>>) target_semaphore(%arg21 : memref<!tpu.dma_semaphore, #tpu.memory_space<semaphore_mem>>)
        %add3A_130 = arith.constant 1 : i32
        %add3A_131 = arith.addi %add3A_93, %add3A_130 : i32
        %lt3A_132 = arith.constant 39 : i32
        %lt3A_133 = arith.cmpi slt, %add3A_131, %lt3A_132 : i32
        %convert_element_type3A_134 = arith.extui %lt3A_133 : i1 to i32
        %cond3A_135 = arith.constant 0 : i32
        %cond3A_136 = arith.cmpi ne, %convert_element_type3A_134, %cond3A_135 : i32
        scf.if %cond3A_136 {
          %ge3A = arith.constant 6 : i32
          %ge3A_137 = arith.cmpi sge, %add3A_131, %ge3A : i32
          %convert_element_type3A_138 = arith.extui %ge3A_137 : i1 to i32
          %cond3A_139 = arith.constant 0 : i32
          %cond3A_140 = arith.cmpi ne, %convert_element_type3A_138, %cond3A_139 : i32
          scf.if %cond3A_140 {
            %sub3A = arith.constant 6 : i32
            %sub3A_147 = arith.subi %add3A_131, %sub3A : i32
            %mul3A_148 = arith.constant 128 : i32
            %mul3A_149 = arith.muli %sub3A_147, %mul3A_148 : i32
            %add3A_150 = arith.addi %mul3A_2, %mul3A_149 : i32
            %dma_wait3A_151 = arith.constant 0 : i32
            %dma_wait3A_152 = tpu.memref_slice %arg4[%add3A_150, %dma_wait3A_151] : memref<160000x128xf32, #tpu.memory_space<hbm>> -> memref<128x128xf32, #tpu.memory_space<hbm>>
            %dma_wait3A_153 = arith.constant 0 : i32
            %dma_wait3A_154 = tpu.memref_slice %arg4[%add3A_150, %dma_wait3A_153] : memref<160000x128xf32, #tpu.memory_space<hbm>> -> memref<128x128xf32, #tpu.memory_space<hbm>>
            tpu.wait_dma2 semaphore(%arg22 : memref<!tpu.dma_semaphore, #tpu.memory_space<semaphore_mem>>) src(%arg10 : memref<128x128xf32, #tpu.memory_space<vmem>>) dst(%dma_wait3A_154 : memref<128x128xf32, #tpu.memory_space<hbm>>)
          } else {
          }
          %mul3A_141 = arith.constant 128 : i32
          %mul3A_142 = arith.muli %add3A_131, %mul3A_141 : i32
          %dma_start3A_143 = tpu.memref_slice %arg5[%mul3A_142] : memref<5000xi32, #tpu.memory_space<vmem>> -> memref<128xi32, #tpu.memory_space<vmem>>
          %dma_start3A_144 = arith.constant 0 : i32
          %dma_start3A_145 = arith.constant 0 : i32
          %dma_start3A_146 = tpu.memref_slice %arg2[%dma_start3A_144, %dma_start3A_145] : memref<10000x128xf32, #tpu.memory_space<hbm>> -> memref<10000x128xf32, #tpu.memory_space<hbm>>
          tpu.enqueue_indirect_dma source(%dma_start3A_146 : memref<10000x128xf32, #tpu.memory_space<hbm>>) target(%arg10 : memref<128x128xf32, #tpu.memory_space<vmem>>) offsets(%dma_start3A_143 : memref<128xi32, #tpu.memory_space<vmem>>) semaphore(%arg16 : memref<!tpu.dma_semaphore, #tpu.memory_space<semaphore_mem>>)
        } else {
        }
      } else {
      }
      %mul3A_99 = arith.constant 6 : i32
      %mul3A_100 = arith.muli %scan3A_65, %mul3A_99 : i32
      %add3A_101 = arith.constant 4 : i32
      %add3A_102 = arith.addi %mul3A_100, %add3A_101 : i32
      %lt3A_103 = arith.constant 39 : i32
      %lt3A_104 = arith.cmpi slt, %add3A_102, %lt3A_103 : i32
      %convert_element_type3A_105 = arith.extui %lt3A_104 : i1 to i32
      %cond3A_106 = arith.constant 0 : i32
      %cond3A_107 = arith.cmpi ne, %convert_element_type3A_105, %cond3A_106 : i32
      scf.if %cond3A_107 {
        %mul3A_117 = arith.constant 128 : i32
        %mul3A_118 = arith.muli %add3A_102, %mul3A_117 : i32
        %dma_wait3A_119 = tpu.memref_slice %arg5[%mul3A_118] : memref<5000xi32, #tpu.memory_space<vmem>> -> memref<128xi32, #tpu.memory_space<vmem>>
        %dma_wait3A_120 = arith.constant 0 : i32
        %dma_wait3A_121 = arith.constant 0 : i32
        %dma_wait3A_122 = tpu.memref_slice %arg2[%dma_wait3A_120, %dma_wait3A_121] : memref<10000x128xf32, #tpu.memory_space<hbm>> -> memref<10000x128xf32, #tpu.memory_space<hbm>>
        tpu.wait_indirect_dma semaphore(%arg16 : memref<!tpu.dma_semaphore, #tpu.memory_space<semaphore_mem>>) src(%dma_wait3A_122 : memref<10000x128xf32, #tpu.memory_space<hbm>>) dst(%arg10 : memref<128x128xf32, #tpu.memory_space<vmem>>)
        %mul3A_123 = arith.constant 128 : i32
        %mul3A_124 = arith.muli %add3A_102, %mul3A_123 : i32
        %add3A_125 = arith.addi %mul3A_2, %mul3A_124 : i32
        %dma_start3A_126 = arith.constant 0 : i32
        %dma_start3A_127 = tpu.memref_slice %arg4[%add3A_125, %dma_start3A_126] : memref<160000x128xf32, #tpu.memory_space<hbm>> -> memref<128x128xf32, #tpu.memory_space<hbm>>
        %dma_start3A_128 = arith.constant 0 : i32
        %dma_start3A_129 = tpu.memref_slice %arg4[%add3A_125, %dma_start3A_128] : memref<160000x128xf32, #tpu.memory_space<hbm>> -> memref<128x128xf32, #tpu.memory_space<hbm>>
        tpu.enqueue_dma source(%arg10 : memref<128x128xf32, #tpu.memory_space<vmem>>) target(%dma_start3A_129 : memref<128x128xf32, #tpu.memory_space<hbm>>) target_semaphore(%arg22 : memref<!tpu.dma_semaphore, #tpu.memory_space<semaphore_mem>>)
        %add3A_130 = arith.constant 1 : i32
        %add3A_131 = arith.addi %add3A_102, %add3A_130 : i32
        %lt3A_132 = arith.constant 39 : i32
        %lt3A_133 = arith.cmpi slt, %add3A_131, %lt3A_132 : i32
        %convert_element_type3A_134 = arith.extui %lt3A_133 : i1 to i32
        %cond3A_135 = arith.constant 0 : i32
        %cond3A_136 = arith.cmpi ne, %convert_element_type3A_134, %cond3A_135 : i32
        scf.if %cond3A_136 {
          %ge3A = arith.constant 6 : i32
          %ge3A_137 = arith.cmpi sge, %add3A_131, %ge3A : i32
          %convert_element_type3A_138 = arith.extui %ge3A_137 : i1 to i32
          %cond3A_139 = arith.constant 0 : i32
          %cond3A_140 = arith.cmpi ne, %convert_element_type3A_138, %cond3A_139 : i32
          scf.if %cond3A_140 {
            %sub3A = arith.constant 6 : i32
            %sub3A_147 = arith.subi %add3A_131, %sub3A : i32
            %mul3A_148 = arith.constant 128 : i32
            %mul3A_149 = arith.muli %sub3A_147, %mul3A_148 : i32
            %add3A_150 = arith.addi %mul3A_2, %mul3A_149 : i32
            %dma_wait3A_151 = arith.constant 0 : i32
            %dma_wait3A_152 = tpu.memref_slice %arg4[%add3A_150, %dma_wait3A_151] : memref<160000x128xf32, #tpu.memory_space<hbm>> -> memref<128x128xf32, #tpu.memory_space<hbm>>
            %dma_wait3A_153 = arith.constant 0 : i32
            %dma_wait3A_154 = tpu.memref_slice %arg4[%add3A_150, %dma_wait3A_153] : memref<160000x128xf32, #tpu.memory_space<hbm>> -> memref<128x128xf32, #tpu.memory_space<hbm>>
            tpu.wait_dma2 semaphore(%arg23 : memref<!tpu.dma_semaphore, #tpu.memory_space<semaphore_mem>>) src(%arg11 : memref<128x128xf32, #tpu.memory_space<vmem>>) dst(%dma_wait3A_154 : memref<128x128xf32, #tpu.memory_space<hbm>>)
          } else {
          }
          %mul3A_141 = arith.constant 128 : i32
          %mul3A_142 = arith.muli %add3A_131, %mul3A_141 : i32
          %dma_start3A_143 = tpu.memref_slice %arg5[%mul3A_142] : memref<5000xi32, #tpu.memory_space<vmem>> -> memref<128xi32, #tpu.memory_space<vmem>>
          %dma_start3A_144 = arith.constant 0 : i32
          %dma_start3A_145 = arith.constant 0 : i32
          %dma_start3A_146 = tpu.memref_slice %arg2[%dma_start3A_144, %dma_start3A_145] : memref<10000x128xf32, #tpu.memory_space<hbm>> -> memref<10000x128xf32, #tpu.memory_space<hbm>>
          tpu.enqueue_indirect_dma source(%dma_start3A_146 : memref<10000x128xf32, #tpu.memory_space<hbm>>) target(%arg11 : memref<128x128xf32, #tpu.memory_space<vmem>>) offsets(%dma_start3A_143 : memref<128xi32, #tpu.memory_space<vmem>>) semaphore(%arg17 : memref<!tpu.dma_semaphore, #tpu.memory_space<semaphore_mem>>)
        } else {
        }
      } else {
      }
      %mul3A_108 = arith.constant 6 : i32
      %mul3A_109 = arith.muli %scan3A_65, %mul3A_108 : i32
      %add3A_110 = arith.constant 5 : i32
      %add3A_111 = arith.addi %mul3A_109, %add3A_110 : i32
      %lt3A_112 = arith.constant 39 : i32
      %lt3A_113 = arith.cmpi slt, %add3A_111, %lt3A_112 : i32
      %convert_element_type3A_114 = arith.extui %lt3A_113 : i1 to i32
      %cond3A_115 = arith.constant 0 : i32
      %cond3A_116 = arith.cmpi ne, %convert_element_type3A_114, %cond3A_115 : i32
      scf.if %cond3A_116 {
        %mul3A_117 = arith.constant 128 : i32
        %mul3A_118 = arith.muli %add3A_111, %mul3A_117 : i32
        %dma_wait3A_119 = tpu.memref_slice %arg5[%mul3A_118] : memref<5000xi32, #tpu.memory_space<vmem>> -> memref<128xi32, #tpu.memory_space<vmem>>
        %dma_wait3A_120 = arith.constant 0 : i32
        %dma_wait3A_121 = arith.constant 0 : i32
        %dma_wait3A_122 = tpu.memref_slice %arg2[%dma_wait3A_120, %dma_wait3A_121] : memref<10000x128xf32, #tpu.memory_space<hbm>> -> memref<10000x128xf32, #tpu.memory_space<hbm>>
        tpu.wait_indirect_dma semaphore(%arg17 : memref<!tpu.dma_semaphore, #tpu.memory_space<semaphore_mem>>) src(%dma_wait3A_122 : memref<10000x128xf32, #tpu.memory_space<hbm>>) dst(%arg11 : memref<128x128xf32, #tpu.memory_space<vmem>>)
        %mul3A_123 = arith.constant 128 : i32
        %mul3A_124 = arith.muli %add3A_111, %mul3A_123 : i32
        %add3A_125 = arith.addi %mul3A_2, %mul3A_124 : i32
        %dma_start3A_126 = arith.constant 0 : i32
        %dma_start3A_127 = tpu.memref_slice %arg4[%add3A_125, %dma_start3A_126] : memref<160000x128xf32, #tpu.memory_space<hbm>> -> memref<128x128xf32, #tpu.memory_space<hbm>>
        %dma_start3A_128 = arith.constant 0 : i32
        %dma_start3A_129 = tpu.memref_slice %arg4[%add3A_125, %dma_start3A_128] : memref<160000x128xf32, #tpu.memory_space<hbm>> -> memref<128x128xf32, #tpu.memory_space<hbm>>
        tpu.enqueue_dma source(%arg11 : memref<128x128xf32, #tpu.memory_space<vmem>>) target(%dma_start3A_129 : memref<128x128xf32, #tpu.memory_space<hbm>>) target_semaphore(%arg23 : memref<!tpu.dma_semaphore, #tpu.memory_space<semaphore_mem>>)
        %add3A_130 = arith.constant 1 : i32
        %add3A_131 = arith.addi %add3A_111, %add3A_130 : i32
        %lt3A_132 = arith.constant 39 : i32
        %lt3A_133 = arith.cmpi slt, %add3A_131, %lt3A_132 : i32
        %convert_element_type3A_134 = arith.extui %lt3A_133 : i1 to i32
        %cond3A_135 = arith.constant 0 : i32
        %cond3A_136 = arith.cmpi ne, %convert_element_type3A_134, %cond3A_135 : i32
        scf.if %cond3A_136 {
          %ge3A = arith.constant 6 : i32
          %ge3A_137 = arith.cmpi sge, %add3A_131, %ge3A : i32
          %convert_element_type3A_138 = arith.extui %ge3A_137 : i1 to i32
          %cond3A_139 = arith.constant 0 : i32
          %cond3A_140 = arith.cmpi ne, %convert_element_type3A_138, %cond3A_139 : i32
          scf.if %cond3A_140 {
            %sub3A = arith.constant 6 : i32
            %sub3A_147 = arith.subi %add3A_131, %sub3A : i32
            %mul3A_148 = arith.constant 128 : i32
            %mul3A_149 = arith.muli %sub3A_147, %mul3A_148 : i32
            %add3A_150 = arith.addi %mul3A_2, %mul3A_149 : i32
            %dma_wait3A_151 = arith.constant 0 : i32
            %dma_wait3A_152 = tpu.memref_slice %arg4[%add3A_150, %dma_wait3A_151] : memref<160000x128xf32, #tpu.memory_space<hbm>> -> memref<128x128xf32, #tpu.memory_space<hbm>>
            %dma_wait3A_153 = arith.constant 0 : i32
            %dma_wait3A_154 = tpu.memref_slice %arg4[%add3A_150, %dma_wait3A_153] : memref<160000x128xf32, #tpu.memory_space<hbm>> -> memref<128x128xf32, #tpu.memory_space<hbm>>
            tpu.wait_dma2 semaphore(%arg18 : memref<!tpu.dma_semaphore, #tpu.memory_space<semaphore_mem>>) src(%arg6 : memref<128x128xf32, #tpu.memory_space<vmem>>) dst(%dma_wait3A_154 : memref<128x128xf32, #tpu.memory_space<hbm>>)
          } else {
          }
          %mul3A_141 = arith.constant 128 : i32
          %mul3A_142 = arith.muli %add3A_131, %mul3A_141 : i32
          %dma_start3A_143 = tpu.memref_slice %arg5[%mul3A_142] : memref<5000xi32, #tpu.memory_space<vmem>> -> memref<128xi32, #tpu.memory_space<vmem>>
          %dma_start3A_144 = arith.constant 0 : i32
          %dma_start3A_145 = arith.constant 0 : i32
          %dma_start3A_146 = tpu.memref_slice %arg2[%dma_start3A_144, %dma_start3A_145] : memref<10000x128xf32, #tpu.memory_space<hbm>> -> memref<10000x128xf32, #tpu.memory_space<hbm>>
          tpu.enqueue_indirect_dma source(%dma_start3A_146 : memref<10000x128xf32, #tpu.memory_space<hbm>>) target(%arg6 : memref<128x128xf32, #tpu.memory_space<vmem>>) offsets(%dma_start3A_143 : memref<128xi32, #tpu.memory_space<vmem>>) semaphore(%arg12 : memref<!tpu.dma_semaphore, #tpu.memory_space<semaphore_mem>>)
        } else {
        }
      } else {
      }
    }
    %scan3A_28 = arith.constant 7 : i32
    %add3A_29 = arith.constant 4224 : i32
    %add3A_30 = arith.addi %mul3A_2, %add3A_29 : i32
    %dma_wait3A_31 = arith.constant 0 : i32
    %dma_wait3A_32 = tpu.memref_slice %arg4[%add3A_30, %dma_wait3A_31] : memref<160000x128xf32, #tpu.memory_space<hbm>> -> memref<128x128xf32, #tpu.memory_space<hbm>>
    %dma_wait3A_33 = arith.constant 0 : i32
    %dma_wait3A_34 = tpu.memref_slice %arg4[%add3A_30, %dma_wait3A_33] : memref<160000x128xf32, #tpu.memory_space<hbm>> -> memref<128x128xf32, #tpu.memory_space<hbm>>
    tpu.wait_dma2 semaphore(%arg21 : memref<!tpu.dma_semaphore, #tpu.memory_space<semaphore_mem>>) src(%arg9 : memref<128x128xf32, #tpu.memory_space<vmem>>) dst(%dma_wait3A_34 : memref<128x128xf32, #tpu.memory_space<hbm>>)
    %add3A_35 = arith.constant 4352 : i32
    %add3A_36 = arith.addi %mul3A_2, %add3A_35 : i32
    %dma_wait3A_37 = arith.constant 0 : i32
    %dma_wait3A_38 = tpu.memref_slice %arg4[%add3A_36, %dma_wait3A_37] : memref<160000x128xf32, #tpu.memory_space<hbm>> -> memref<128x128xf32, #tpu.memory_space<hbm>>
    %dma_wait3A_39 = arith.constant 0 : i32
    %dma_wait3A_40 = tpu.memref_slice %arg4[%add3A_36, %dma_wait3A_39] : memref<160000x128xf32, #tpu.memory_space<hbm>> -> memref<128x128xf32, #tpu.memory_space<hbm>>
    tpu.wait_dma2 semaphore(%arg22 : memref<!tpu.dma_semaphore, #tpu.memory_space<semaphore_mem>>) src(%arg10 : memref<128x128xf32, #tpu.memory_space<vmem>>) dst(%dma_wait3A_40 : memref<128x128xf32, #tpu.memory_space<hbm>>)
    %add3A_41 = arith.constant 4480 : i32
    %add3A_42 = arith.addi %mul3A_2, %add3A_41 : i32
    %dma_wait3A_43 = arith.constant 0 : i32
    %dma_wait3A_44 = tpu.memref_slice %arg4[%add3A_42, %dma_wait3A_43] : memref<160000x128xf32, #tpu.memory_space<hbm>> -> memref<128x128xf32, #tpu.memory_space<hbm>>
    %dma_wait3A_45 = arith.constant 0 : i32
    %dma_wait3A_46 = tpu.memref_slice %arg4[%add3A_42, %dma_wait3A_45] : memref<160000x128xf32, #tpu.memory_space<hbm>> -> memref<128x128xf32, #tpu.memory_space<hbm>>
    tpu.wait_dma2 semaphore(%arg23 : memref<!tpu.dma_semaphore, #tpu.memory_space<semaphore_mem>>) src(%arg11 : memref<128x128xf32, #tpu.memory_space<vmem>>) dst(%dma_wait3A_46 : memref<128x128xf32, #tpu.memory_space<hbm>>)
    %add3A_47 = arith.constant 4608 : i32
    %add3A_48 = arith.addi %mul3A_2, %add3A_47 : i32
    %dma_wait3A_49 = arith.constant 0 : i32
    %dma_wait3A_50 = tpu.memref_slice %arg4[%add3A_48, %dma_wait3A_49] : memref<160000x128xf32, #tpu.memory_space<hbm>> -> memref<128x128xf32, #tpu.memory_space<hbm>>
    %dma_wait3A_51 = arith.constant 0 : i32
    %dma_wait3A_52 = tpu.memref_slice %arg4[%add3A_48, %dma_wait3A_51] : memref<160000x128xf32, #tpu.memory_space<hbm>> -> memref<128x128xf32, #tpu.memory_space<hbm>>
    tpu.wait_dma2 semaphore(%arg18 : memref<!tpu.dma_semaphore, #tpu.memory_space<semaphore_mem>>) src(%arg6 : memref<128x128xf32, #tpu.memory_space<vmem>>) dst(%dma_wait3A_52 : memref<128x128xf32, #tpu.memory_space<hbm>>)
    %add3A_53 = arith.constant 4736 : i32
    %add3A_54 = arith.addi %mul3A_2, %add3A_53 : i32
    %dma_wait3A_55 = arith.constant 0 : i32
    %dma_wait3A_56 = tpu.memref_slice %arg4[%add3A_54, %dma_wait3A_55] : memref<160000x128xf32, #tpu.memory_space<hbm>> -> memref<128x128xf32, #tpu.memory_space<hbm>>
    %dma_wait3A_57 = arith.constant 0 : i32
    %dma_wait3A_58 = tpu.memref_slice %arg4[%add3A_54, %dma_wait3A_57] : memref<160000x128xf32, #tpu.memory_space<hbm>> -> memref<128x128xf32, #tpu.memory_space<hbm>>
    tpu.wait_dma2 semaphore(%arg19 : memref<!tpu.dma_semaphore, #tpu.memory_space<semaphore_mem>>) src(%arg7 : memref<128x128xf32, #tpu.memory_space<vmem>>) dst(%dma_wait3A_58 : memref<128x128xf32, #tpu.memory_space<hbm>>)
    %add3A_59 = arith.constant 4864 : i32
    %add3A_60 = arith.addi %mul3A_2, %add3A_59 : i32
    %dma_wait3A_61 = arith.constant 0 : i32
    %dma_wait3A_62 = tpu.memref_slice %arg4[%add3A_60, %dma_wait3A_61] : memref<160000x128xf32, #tpu.memory_space<hbm>> -> memref<128x128xf32, #tpu.memory_space<hbm>>
    %dma_wait3A_63 = arith.constant 0 : i32
    %dma_wait3A_64 = tpu.memref_slice %arg4[%add3A_60, %dma_wait3A_63] : memref<160000x128xf32, #tpu.memory_space<hbm>> -> memref<128x128xf32, #tpu.memory_space<hbm>>
    tpu.wait_dma2 semaphore(%arg20 : memref<!tpu.dma_semaphore, #tpu.memory_space<semaphore_mem>>) src(%arg8 : memref<128x128xf32, #tpu.memory_space<vmem>>) dst(%dma_wait3A_64 : memref<128x128xf32, #tpu.memory_space<hbm>>)
    return
  }
}

</mosaic_0001>

<sc_bundles>
// kernel: _sc_gather.3.cloned.1.call-start
scs
__scs_entry_jumppad:
0x0: {  	(pc) =	sbr.rel $0x88, $3  }
0x1: {  	(tag) =	ssettag $0x0;
	lr =	simm.s32 $0x1  }
0x2: {  	[smem:$0x3F9F] =	sst lr;
	_ =	strace $0xD0000000  }
0x3: {  	_ = 	snop  }
0x4: {  	_ = 	snop  }
0x5: {  	_ = 	snop  }
0x6: {  	_ = 	snop  }
0x7: {  	_ = 	snop  }
__scs_overlays_trampoline_lowered:
0x8: {  	[smem:$0x3FAE] =	sst s0  }
0x9: {  	[smem:$0x3FAF] =	sst s1  }
0xa: {  	[smem:$0x3FB0] =	sst s2  }
0xb: {  	[smem:$0x3FB1] =	sst s3  }
0xc: {  	[smem:$0x3FB2] =	sst s4  }
0xd: {  	[smem:$0x3FB3] =	sst s5  }
0xe: {  	[smem:$0x3FB4] =	sst s6  }
0xf: {  	[smem:$0x3FB5] =	sst s7  }
0x10: {  	[smem:$0x3FB6] =	sst s8  }
0x11: {  	[smem:$0x3FB7] =	sst s9;
	s0 =	simm.s32 @!p0 $0x0  }
0x12: {  	s1 =	sld [smem:$0x3F9D];
	s0 =	simm.s32 @p0 $0x1  }
0x13: {  	[smem:$0x3FB8] =	sst s0;
	s0 =	simm.s32 @!p1 $0x0  }
0x14: {  	s2 =	sld [smem:$0x3F9C];
	s0 =	simm.s32 @p1 $0x1  }
0x15: {  	[smem:$0x3FB9] =	sst s0;
	s0 =	simm.s32 @!p2 $0x0  }
0x16: {  	s3 =	sld [smem:$0x3FDB];
	s0 =	simm.s32 @p2 $0x1  }
0x17: {  	s4 =	simm.s32 $0x1BF5;
	[smem:$0x3FBB] =	sst s0  }
0x18: {  	s0 =	sld [smem:$0x3F9E];
	_ =	swait.ge [sflag:s4], $0x0  }
0x19: {  	s7 =	sld [smem:$0x3F9F]  }
0x1a: {  	s8 =	sadd.s32 $0xFFFFE003, lr  }
0x1b: {  	s9 =	sadd.s32 $0xFFFFFEF7, lr;
	s5 =	simm.s32 $0xFFFFFFFF;
	p2 =	slt.u32 s8, $0xFFFFF086  }
0x1c: {  	p1 =	slt.u32 s9, $0xF7A;
	s5 =	simm.s32 @!p2 $0x0  }
0x1d: {  	s5 =	simm.s32 @p1 $0x1;
	p0 =	seq.s32 s7, s2  }
0x1e: {  	s7 =	smul.u32 @!p0 $0xF7A, s2;
	p2 =	seq.s32 @!p0 s5, $0x0  }
0x1f: {  	s9 =	smul.u32 $0xF7A, s1;
	s8 =	simm.s32 @!p0 $0x1BF5;
	p2 =	por !p2, p0  }
0x20: {  	[sflag:s8] =	ssyncset.s32 @!p0 $0xFFFFF086;
	s6 =	sadd.s32 @!p0 s3, s7;
	s7 =	simm.s32 @!p0 $0x108  }
0x21: {  	s3 =	sadd.s32 s3, s9;
	s6 =	sadd.s32 @!p0 $0x88, s6;
	s7 =	simm.s32 @p2 $0x1082  }
0x22: {  	[simem:s7], [sflag:s8] =	dma.local @!p0 [hbm:s6], $0xF7A  }
0x23: {  	s9 =	sor.u32 $0xD0000000, s2;
	s6 =	simm.s32 $0x108;
	_ =	swait.ge @!p0 [sflag:s8], $0x0  }
0x24: {  	s3 =	sadd.s32 $0x88, s3;
	s6 =	simm.s32 @!p1 $0x1082;
	[sflag:s4] =	ssyncset.s32 $0xFFFFF086  }
0x25: {  	[simem:s6], [sflag:s4] =	dma.local [hbm:s3], $0xF7A  }
0x26: {  	[smem:$0x3F9F] =	sst s1;
	(tag) =	ssettag s2;
	_ =	strace s9  }
0x27: {  	s1 =	sld [smem:$0x3FAF]  }
0x28: {  	s2 =	sld [smem:$0x3FB0]  }
0x29: {  	s4 =	sld [smem:$0x3FB2]  }
0x2a: {  	p0 =	seq.s32 s5, $0x0;
	s5 =	sld [smem:$0x3FB3]  }
0x2b: {  	s6 =	sld [smem:$0x3FB4]  }
0x2c: {  	s7 =	sld [smem:$0x3FB5]  }
0x2d: {  	s3 =	simm.s32 $0x108;
	s8 =	sld [smem:$0x3FB6]  }
0x2e: {  	s3 =	simm.s32 @!p0 $0x1082;
	s9 =	sld [smem:$0x3FB7]  }
0x2f: {  	lr =	sadd.s32 s0, s3;
	s0 =	sld [smem:$0x3FAE]  }
0x30: {  	s3 =	sld [smem:$0x3FB1]  }
0x31: {  	[smem:$0x3FBA] =	sst s10  }
0x32: {  	s10 =	sld [smem:$0x3FB8];
	_ =	sdelay $0x3  }
0x33: {  	p0 =	seq.s32 s10, $0x1;
	s10 =	sld [smem:$0x3FBA];
	_ =	sdelay $0x3  }
0x34: {  	[smem:$0x3FBA] =	sst s10  }
0x35: {  	s10 =	sld [smem:$0x3FB9];
	_ =	sdelay $0x3  }
0x36: {  	p1 =	seq.s32 s10, $0x1;
	s10 =	sld [smem:$0x3FBA];
	_ =	sdelay $0x3  }
0x37: {  	[smem:$0x3FBA] =	sst s10  }
0x38: {  	s10 =	sld [smem:$0x3FBB]  }
0x39: {  	_ = 	snop;
	(pc) =	sbr.ind lr, $3  }
0x3a: {  	_ = 	snop  }
0x3b: {  	_ = 	snop  }
0x3c: {  	p2 =	seq.s32 s10, $0x1;
	s10 =	sld [smem:$0x3FBA]  }
0x3d: {  	_ =	shalt  }
0x3e: {  	_ =	shalt  }
0x3f: {  	_ =	shalt  }
0x40: {  	_ =	shalt  }
0x41: {  	_ =	shalt  }
0x42: {  	_ =	shalt  }
0x43: {  	_ =	shalt  }
0x44: {  	_ =	shalt  }
0x45: {  	_ =	shalt  }
0x46: {  	_ =	shalt  }
0x47: {  	_ =	shalt  }
0x48: {  	_ =	shalt  }
0x49: {  	_ =	shalt  }
0x4a: {  	_ =	shalt  }
0x4b: {  	_ =	shalt  }
0x4c: {  	_ =	shalt  }
0x4d: {  	_ =	shalt  }
0x4e: {  	_ =	shalt  }
0x4f: {  	_ =	shalt  }
0x50: {  	_ =	shalt  }
0x51: {  	_ =	shalt  }
0x52: {  	_ =	shalt  }
0x53: {  	_ =	shalt  }
0x54: {  	_ =	shalt  }
0x55: {  	_ =	shalt  }
0x56: {  	_ =	shalt  }
0x57: {  	_ =	shalt  }
0x58: {  	_ =	shalt  }
0x59: {  	_ =	shalt  }
0x5a: {  	_ =	shalt  }
0x5b: {  	_ =	shalt  }
0x5c: {  	_ =	shalt  }
0x5d: {  	_ =	shalt  }
0x5e: {  	_ =	shalt  }
0x5f: {  	_ =	shalt  }
0x60: {  	_ =	shalt  }
0x61: {  	_ =	shalt  }
0x62: {  	_ =	shalt  }
0x63: {  	_ =	shalt  }
0x64: {  	_ =	shalt  }
0x65: {  	_ =	shalt  }
0x66: {  	_ =	shalt  }
0x67: {  	_ =	shalt  }
0x68: {  	_ =	shalt  }
0x69: {  	_ =	shalt  }
0x6a: {  	_ =	shalt  }
0x6b: {  	_ =	shalt  }
0x6c: {  	_ =	shalt  }
0x6d: {  	_ =	shalt  }
0x6e: {  	_ =	shalt  }
0x6f: {  	_ =	shalt  }
0x70: {  	_ =	shalt  }
0x71: {  	_ =	shalt  }
0x72: {  	_ =	shalt  }
0x73: {  	_ =	shalt  }
0x74: {  	_ =	shalt  }
0x75: {  	_ =	shalt  }
0x76: {  	_ =	shalt  }
0x77: {  	_ =	shalt  }
0x78: {  	_ =	shalt  }
0x79: {  	_ =	shalt  }
0x7a: {  	_ =	shalt  }
0x7b: {  	_ =	shalt  }
0x7c: {  	_ =	shalt  }
0x7d: {  	_ =	shalt  }
0x7e: {  	_ =	shalt  }
0x7f: {  	_ =	shalt  }
0x80: {  	_ =	shalt  }
0x81: {  	_ =	shalt  }
0x82: {  	_ =	shalt  }
0x83: {  	_ =	shalt  }
0x84: {  	_ =	shalt  }
0x85: {  	_ =	shalt  }
0x86: {  	_ =	shalt  }
0x87: {  	_ =	shalt  }
.Lfunc_end0:
.L_simem_size_0:
called_computation_lowered:
.L_overlay_start_0:
0x88: {  	s2 =	sld [smem:$0x3FD9]  }
0x89: {  	s3 =	sld [smem:$0x3FFE];
	_ =	sdelay $0x1  }
0x8a: {  	s1 =	srdreg.scid  }
0x8b: {  	s0 =	sand.u32 $0x1, s1  }
0x8c: {  	s18 =	sshll.u32 s0, $0xA;
	s2 =	sadd.s32 s3, s2  }
0x8d: {  	s2 =	sadd.s32 s2, s18  }
0x8e: {  	[smem:$0x3FC6] =	sst s2  }
0x8f: {  	_ = 	snop  }
0x90: {  	s2 =	sld [smem:$0x3FC9]  }
0x91: {  	s19 =	sld [smem:$0x3FC8]  }
0x92: {  	s4 =	sld [smem:$0x3FD0];
	(tm) =	ssettm $0x1  }
0x93: {  	s5 =	sld [smem:$0x3FFB];
	_ =	sdelay $0x3  }
0x94: {  	_ =	strace s5  }
0x95: {  	s5 =	sld [smem:$0x3FFC];
	_ =	sdelay $0x3  }
0x96: {  	_ =	strace s5  }
0x97: {  	s5 =	sld [smem:$0x3FFD];
	_ =	sdelay $0x3  }
0x98: {  	_ =	strace s5  }
0x99: {  	_ =	strace $0x8FFFFFFF  }
0x9a: {  	s20 =	sld [smem:$0x3FDB];
	_ =	sdelay $0x1  }
0x9b: {  	s6 =	simm.s32 $_scs_section_size  }
0x9c: {  	s7 =	simm.s32 $_size__tile_overlayer_lowered;
	s8 =	simm.s32 $_tile_overlayer_lowered  }
0x9d: {  	s23 =	simm.s32 $0x1BFF;
	s22 =	sshll.u32 s8, $0x1;
	s5 =	sadd.s32 s6, s20  }
0x9e: {  	s9 =	simm.s32 $0x0;
	s21 =	sshll.u32 s7, $0x1;
	s7 =	sadd.s32 s22, s5  }
0x9f: {  	[timem:s9], [sflag:s23] =	dma.local [hbm:s7], s21  }
0xa0: {  	_ =	swait.ge [sflag:s23], s21  }
0xa1: {  	s6 =	ssub.s32 $0x0, s21;
	[sflag:s23] =	ssyncset.done $0x0  }
0xa2: {  	[sflag:s23] =	ssyncadd.s32 s6;
	_ =	sdelay $0x1  }
0xa3: {  	s24 =	simm.s32 $0x1B8B  }
0xa4: {  	_ =	swait.ge [sflag:s24], $0x1  }
0xa5: {  	[sflag:s24] =	ssyncset.done $0x0  }
0xa6: {  	s25 =	simm.s32 $0x1B8E;
	[sflag:s24] =	ssyncadd.s32 $0xFFFFFFFF  }
0xa7: {  	s26 =	simm.s32 $execute0_lowered;
	[smem:$0x3FD2] =	sst s25  }
0xa8: {  	s6 =	sshll.u32 s26, $0x1;
	_ =	strace $0x80000046;
	[dreg:$0x1] =	wrdreg $0xFFFFFFFF  }
0xa9: {  	s28 =	simm.s32 $_size_execute0_lowered;
	s5 =	sadd.s32 s5, s6;
	[dreg:$0x0] =	wrdreg $0x0  }
0xaa: {  	s6 =	sshll.u32 s28, $0x1;
	[dreg:$0x2] =	wrdreg s5  }
0xab: {  	[dreg:$0x3] =	wrdreg s6  }
0xac: {  	[dreg:$0x4] =	wrdreg $0xC0  }
0xad: {  	_ =	task [dreg:s9], $0x5FFFF  }
0xae: {  	[dreg:$0x1] =	wrdreg $0xFFFFFFFF  }
0xaf: {  	[dreg:$0x0] =	wrdreg $0x60  }
0xb0: {  	[dreg:$0x2] =	wrdreg s2  }
0xb1: {  	[dreg:$0x3] =	wrdreg s19  }
0xb2: {  	[dreg:$0x4] =	wrdreg s4  }
0xb3: {  	[dreg:$0x5] =	wrdreg $0x9  }
0xb4: {  	_ =	task.clear_ibuf [dreg:s9], $0x6FFFF;
	_ =	strace $0x90000046  }
0xb5: {  	s29 =	simm.s32 $0x9;
	_ =	strace $0x80000048  }
0xb6: {  	_ =	swait.ge [sflag:s29], $0x1  }
0xb7: {  	[sflag:s29] =	ssyncadd.s32 $0xFFFFFFFF  }
0xb8: {  	_ =	strace $0x90000048  }
0xb9: {  	_ =	sfence  }
0xba: {  	s30 =	sld [smem:$0x0];
	_ =	sdelay $0x2  }
0xbb: {  	s31 =	sshll.u32 s1, $0xD;
	s1 =	sshrl.u32 s1, $0x2  }
0xbc: {  	s3 =	sand.u32 $0x4000, s31;
	s1 =	sadd.s32 s1, s30  }
0xbd: {  	s0 =	sor.u32 s3, s0;
	s1 =	sshll.u32 s1, $0x11  }
0xbe: {  	s0 =	sor.u32 s1, s0  }
0xbf: {  	s0 =	sadd.s32 $0x8F2B, s0  }
0xc0: {  	[sflag:s0] =	ssyncadd.remote.s32 $0x1  }
0xc1: {  	_ =	sfence.sel $0xFFFF  }
0xc2: {  	[dreg:$0x0] =	wrdreg $0xFFFFFFFF;
	(pc) =	sbr.abs _section_cstart, $3  }
0xc3: {  	[dreg:$0x1] =	wrdreg $0xFFFFFFFF  }
0xc4: {  	_ =	task.clear_ibuf [dreg:s9], $0x2FFFF;
	_ =	strace $0x9FFFFFFF  }
0xc5: {  	(tm) =	ssettm $0x7FFFFFFF  }
tec
execute0_lowered:
.L_overlay_start_1:
0x0: {  	(tag) =	ssettag $0x1  }
0x1: {  	s1 =	rddreg [dreg:$0x0]  }
0x2: {  	s0 =	rddreg [dreg:$0x1]  }
0x3: {  	s2 =	rddreg [dreg:$0x2]  }
0x4: {  	s4 =	srdreg.scid;
	s11 =	stileid.u32  }
0x5: {  	s3 =	simm.s32 $0x0;
	s13 =	simm.s32 $0x80;
	s15 =	simm.s32 $0xD  }
0x6: {  	s28 =	simm.s32 $0x5;
	s29 =	simm.s32 $0x15400;
	s30 =	simm.s32 $0x6  }
0x7: {  	s31 =	simm.s32 $0x7;
	s4 =	sand.u32 $0x1, s4;
	s16 =	smul.u32 $0x138800, s11  }
0x8: {  	s5 =	sshll.u32 s11, $0x1;
	s6 =	sshrl.u32 s11, $0x2;
	s18 =	smul.u32 $0x27100, s11  }
0x9: {  	[smem:$0x7FF] =	sst s3;
	s5 =	sor.u32 s4, s5;
	s6 =	smul.u32 $0xA000, s6  }
0xa: {  	_ =	strace $0x80000047;
	s8 =	ssub.s32 $0x2, s4;
	s10 =	smul.u32 $0x9C400, s4  }
0xb: {  	s4 =	smul.u32 $0x13880, s4;
	s7 =	sshll.u32 s5, $0x7;
	s9 =	sshrl.u32 s8, $0x1  }
0xc: {  	s5 =	smul.u32 $0x9C400, s5;
	s7 =	sand.u32 $0x380, s7;
	s8 =	ssub.s32 s8, s9  }
0xd: {  	s19 =	sadd.s32 s10, s16;
	s16 =	simm.s32 $0x8;
	s6 =	sor.u32 s6, s7  }
0xe: {  	s5 =	sshrl.u32 s5, $0x3;
	s20 =	smax.u32 s8, $0x1;
	s21 =	sadd.s32 $0x4000, s19  }
0xf: {  	s22 =	sadd.s32 $0x14000, s19;
	s24 =	sadd.s32 $0x10000, s19;
	s25 =	sadd.s32 $0xC000, s19  }
0x10: {  	s6 =	sshrl.u32 s6, $0x3;
	s17 =	sadd.s32 s2, s5;
	[dreg:$0x6] =	wrdreg s20  }
0x11: {  	s23 =	sshrl.u32 s22, $0x3;
	s5 =	sadd.s32 $0x8000, s19;
	s19 =	simm.s32 $0x1  }
0x12: {  	s20 =	simm.s32 $0x5400;
	s22 =	simm.s32 $0x9400;
	s0 =	sadd.s32 s0, s6  }
0x13: {  	s6 =	sshrl.u32 s21, $0x3;
	s9 =	sadd.s32 s23, s2;
	s26 =	sshrl.u32 s5, $0x3  }
0x14: {  	s21 =	simm.s32 $0x2;
	s23 =	simm.s32 $0x3;
	[dreg:$0x4] =	wrdreg s0  }
0x15: {  	s0 =	sadd.s32 $0x13800, s17;
	s8 =	sadd.s32 s6, s2;
	s12 =	sadd.s32 s26, s2  }
.Ltmp0:
0x16: {  	s26 =	simm.s32 $0x11400;
	s17 =	simm.s32 $0x9;
	(pc) =	sbr.rel .LBB2_1-.Ltmp0, $4  }
0x17: {  	[dreg:$0x5] =	wrdreg s0;
	s0 =	sadd.s32 s18, s2;
	s18 =	simm.s32 $0x1400  }
0x18: {  	s7 =	sadd.s32 s4, s0;
	s0 =	sshrl.u32 s24, $0x3;
	s4 =	sshrl.u32 s25, $0x3  }
0x19: {  	s24 =	simm.s32 $0xD400;
	s25 =	simm.s32 $0x4;
	s10 =	sadd.s32 s0, s2  }
0x1a: {  	s11 =	sadd.s32 s4, s2;
	s0 =	simm.s32 $0xA;
	s4 =	simm.s32 $0x0  }
.LBB2_6:
0x1b: {  	_ =	swait.ge [sflag:s0], $0x4000  }
0x1c: {  	[sflag:s0] =	ssyncset.done $0x0  }
0x1d: {  	s2 =	simm.s32 $0xB;
	[sflag:s0] =	ssyncadd.s32 $0xFFFFC000  }
0x1e: {  	_ =	swait.ge [sflag:s2], $0x4000  }
0x1f: {  	[sflag:s2] =	ssyncset.done $0x0  }
0x20: {  	s6 =	simm.s32 $0xC;
	[sflag:s2] =	ssyncadd.s32 $0xFFFFC000  }
0x21: {  	_ =	swait.ge [sflag:s6], $0x4000  }
0x22: {  	[sflag:s6] =	ssyncset.done $0x0  }
0x23: {  	[sflag:s6] =	ssyncadd.s32 $0xFFFFC000  }
0x24: {  	_ =	swait.ge [sflag:s31], $0x4000  }
0x25: {  	[sflag:s31] =	ssyncset.done $0x0  }
0x26: {  	[sflag:s31] =	ssyncadd.s32 $0xFFFFC000  }
0x27: {  	_ =	swait.ge [sflag:s16], $0x4000  }
0x28: {  	[sflag:s16] =	ssyncset.done $0x0  }
0x29: {  	[sflag:s16] =	ssyncadd.s32 $0xFFFFC000  }
0x2a: {  	_ =	swait.ge [sflag:s17], $0x4000  }
0x2b: {  	s4 =	sadd.s32 $0x1, s4;
	s14 =	rddreg [dreg:$0x6]  }
0x2c: {  	p0 =	sne.s32 s4, s14  }
.Ltmp1:
0x2d: {  	_ = 	snop;
	(pc) =	sbr.rel @!p0 .LBB2_7-.Ltmp1, $3  }
0x2e: {  	_ =	sdelay $0x1  }
0x2f: {  	[sflag:s17] =	ssyncset.done $0x0  }
0x30: {  	[sflag:s17] =	ssyncadd.s32 $0xFFFFC000  }
.LBB2_1:
0x31: {  	s2 =	rddreg [dreg:$0x4];
	s5 =	simm.s32 $0x400  }
0x32: {  	[tilespmem:s3], [sflag:$0xD] =	stream.strided.gather [hbm4b:s2+s13], $0x1400, s5, s13, $0x38;
	[tilespmem:$0x19400] =	vst v63  }
0x33: {  	_ =	swait.ge [sflag:s15], $0x1400  }
0x34: {  	[sflag:s15] =	ssyncset.done $0x0  }
0x35: {  	s6 =	simm.s32 $0x1380;
	[sflag:s15] =	ssyncadd.s32 $0xFFFFEC00  }
0x36: {  	[tilespmem:s18], [sflag:$0x1] =	stream.indirect.gather [hbm4b:s1+s16], $0x80, s6, s16, $0xb8;
	[tilespmem:$0x19400] =	vst v63  }
0x37: {  	_ =	swait.ge [sflag:s19], $0x400  }
0x38: {  	[sflag:s19] =	ssyncset.done $0x0  }
0x39: {  	s14 =	rddreg [dreg:$0x5];
	[sflag:s19] =	ssyncadd.s32 $0xFFFFFC00  }
0x3a: {  	[hbm4b:s14+s3] =	stream.linear.scatter [tilespmem:s18], [sflag:$0xD], $0x400, $0x38;
	[tilespmem:$0x19400] =	vst v63  }
.Ltmp2:
0x3b: {  	_ = 	snop;
	(pc) =	sbr.rel .LBB2_2-.Ltmp2, $4  }
0x3c: {  	_ =	swait.ge [sflag:s15], $0x400  }
0x3d: {  	s5 =	simm.s32 $0x180;
	[sflag:s15] =	ssyncset.done $0x0  }
0x3e: {  	s2 =	simm.s32 $0x0;
	s6 =	simm.s32 $0x0;
	[sflag:s15] =	ssyncadd.s32 $0xFFFFFC00  }
0x3f: {  	[tilespmem:s18], [sflag:$0x1] =	stream.indirect.gather [hbm4b:s1+s13], $0x80, s3, s13, $0xb8;
	[tilespmem:$0x19400] =	vst v63  }
.LBB2_5:
0x40: {  	[tilespmem:s24], [sflag:$0x4] =	stream.indirect.gather [hbm4b:s1+s13], $0x80, s5, s13, $0xb8;
	[tilespmem:$0x19400] =	vst v63  }
0x41: {  	_ =	swait.ge [sflag:s25], $0x4000  }
0x42: {  	[sflag:s25] =	ssyncset.done $0x0  }
0x43: {  	s14 =	sadd.s32 s6, s11;
	[sflag:s25] =	ssyncadd.s32 $0xFFFFC000  }
0x44: {  	[hbm4b:s14+s3] =	stream.linear.scatter [tilespmem:s24], [sflag:$0xA], $0x4000, $0x38;
	[tilespmem:$0x19400] =	vst v63  }
0x45: {  	s14 =	simm.s32 @!p0 $0xB  }
0x46: {  	_ =	swait.ge @!p0 [sflag:s14], $0x4000  }
0x47: {  	[sflag:s14] =	ssyncset.done @!p0 $0x0  }
0x48: {  	[sflag:s14] =	ssyncadd.s32 @!p0 $0xFFFFC000;
	s14 =	sadd.s32 $0x80, s5  }
0x49: {  	[tilespmem:s26], [sflag:$0x5] =	stream.indirect.gather [hbm4b:s1+s13], $0x80, s14, s13, $0xb8;
	[tilespmem:$0x19400] =	vst v63  }
0x4a: {  	_ =	swait.ge [sflag:s28], $0x4000  }
0x4b: {  	[sflag:s28] =	ssyncset.done $0x0  }
0x4c: {  	s14 =	sadd.s32 s6, s10;
	[sflag:s28] =	ssyncadd.s32 $0xFFFFC000  }
0x4d: {  	[hbm4b:s14+s3] =	stream.linear.scatter [tilespmem:s26], [sflag:$0xB], $0x4000, $0x38;
	[tilespmem:$0x19400] =	vst v63  }
0x4e: {  	s14 =	simm.s32 @!p0 $0xC  }
0x4f: {  	_ =	swait.ge @!p0 [sflag:s14], $0x4000  }
0x50: {  	[sflag:s14] =	ssyncset.done @!p0 $0x0  }
0x51: {  	[sflag:s14] =	ssyncadd.s32 @!p0 $0xFFFFC000;
	s14 =	sadd.s32 $0x100, s5  }
0x52: {  	[tilespmem:s29], [sflag:$0x6] =	stream.indirect.gather [hbm4b:s1+s13], $0x80, s14, s13, $0xb8;
	[tilespmem:$0x19400] =	vst v63  }
0x53: {  	_ =	swait.ge [sflag:s30], $0x4000  }
0x54: {  	[sflag:s30] =	ssyncset.done $0x0  }
0x55: {  	s14 =	sadd.s32 s6, s9;
	[sflag:s30] =	ssyncadd.s32 $0xFFFFC000  }
0x56: {  	[hbm4b:s14+s3] =	stream.linear.scatter [tilespmem:s29], [sflag:$0xC], $0x4000, $0x38;
	[tilespmem:$0x19400] =	vst v63  }
0x57: {  	_ =	swait.ge [sflag:s31], $0x4000  }
0x58: {  	s2 =	sadd.s32 $0x1, s2;
	s6 =	sadd.s32 $0x3000, s6;
	[sflag:s31] =	ssyncset.done $0x0  }
0x59: {  	s14 =	sadd.s32 $0x180, s5;
	s5 =	sadd.s32 $0x300, s5;
	[sflag:s31] =	ssyncadd.s32 $0xFFFFC000  }
0x5a: {  	[tilespmem:s18], [sflag:$0x1] =	stream.indirect.gather [hbm4b:s1+s13], $0x80, s14, s13, $0xb8;
	[tilespmem:$0x19400] =	vst v63  }
.LBB2_2:
0x5b: {  	_ =	swait.ge [sflag:s19], $0x4000  }
0x5c: {  	[sflag:s19] =	ssyncset.done $0x0  }
0x5d: {  	s14 =	sadd.s32 s6, s7;
	p0 =	seq.s32 s6, $0x0;
	[sflag:s19] =	ssyncadd.s32 $0xFFFFC000  }
0x5e: {  	[hbm4b:s14+s3] =	stream.linear.scatter [tilespmem:s18], [sflag:$0x7], $0x4000, $0x38;
	[tilespmem:$0x19400] =	vst v63  }
0x5f: {  	s14 =	simm.s32 @!p0 $0x8  }
0x60: {  	_ =	swait.ge @!p0 [sflag:s14], $0x4000  }
0x61: {  	[sflag:s14] =	ssyncset.done @!p0 $0x0  }
0x62: {  	[sflag:s14] =	ssyncadd.s32 @!p0 $0xFFFFC000;
	s14 =	sadd.s32 $0xFFFFFF00, s5  }
0x63: {  	[tilespmem:s20], [sflag:$0x2] =	stream.indirect.gather [hbm4b:s1+s13], $0x80, s14, s13, $0xb8;
	[tilespmem:$0x19400] =	vst v63  }
0x64: {  	_ =	swait.ge [sflag:s21], $0x4000  }
0x65: {  	[sflag:s21] =	ssyncset.done $0x0  }
0x66: {  	s14 =	sadd.s32 s6, s8;
	[sflag:s21] =	ssyncadd.s32 $0xFFFFC000  }
0x67: {  	[hbm4b:s14+s3] =	stream.linear.scatter [tilespmem:s20], [sflag:$0x8], $0x4000, $0x38;
	[tilespmem:$0x19400] =	vst v63  }
0x68: {  	s14 =	simm.s32 @!p0 $0x9  }
0x69: {  	_ =	swait.ge @!p0 [sflag:s14], $0x4000  }
0x6a: {  	[sflag:s14] =	ssyncset.done @!p0 $0x0  }
0x6b: {  	p1 =	seq.s32 s2, $0x0;
	[sflag:s14] =	ssyncadd.s32 @!p0 $0xFFFFC000;
	s14 =	sadd.s32 $0xFFFFFF80, s5  }
0x6c: {  	[tilespmem:s22], [sflag:$0x3] =	stream.indirect.gather [hbm4b:s1+s13], $0x80, s14, s13, $0xb8;
	[tilespmem:$0x19400] =	vst v63  }
.Ltmp3:
0x6d: {  	_ = 	snop;
	(pc) =	sbr.rel @p1 .LBB2_5-.Ltmp3, $4  }
0x6e: {  	_ =	swait.ge [sflag:s23], $0x4000  }
0x6f: {  	[sflag:s23] =	ssyncset.done $0x0  }
0x70: {  	s14 =	sadd.s32 s6, s12;
	[sflag:s23] =	ssyncadd.s32 $0xFFFFC000  }
0x71: {  	[hbm4b:s14+s3] =	stream.linear.scatter [tilespmem:s22], [sflag:$0x9], $0x4000, $0x38;
	[tilespmem:$0x19400] =	vst v63  }
0x72: {  	p1 =	seq.s32 s2, $0x6  }
.Ltmp4:
0x73: {  	_ = 	snop;
	(pc) =	sbr.rel @p1 .LBB2_6-.Ltmp4, $1  }
0x74: {  	_ =	sdelay $0x3  }
.Ltmp5:
0x75: {  	(pc) =	sbr.rel .LBB2_5-.Ltmp5, $4  }
0x76: {  	_ = 	snop  }
0x77: {  	_ =	swait.ge [sflag:s0], $0x4000  }
0x78: {  	[sflag:s0] =	ssyncset.done $0x0  }
0x79: {  	[sflag:s0] =	ssyncadd.s32 $0xFFFFC000  }
.LBB2_7:
0x7a: {  	_ =	sfence.sel $0x180000  }
0x7b: {  	[bflag:$0x0] =	sbarrier.arrive $0xFFFF  }
0x7c: {  	_ =	strace $0x90000047  }
0x7d: {  	s0 =	stileid.u32;
	[bflag:$0x2] =	sbarrier.arrive $0xFFFF  }
0x7e: {  	p0 =	sne.s32 s0, $0x0;
	s0 =	rddreg [dreg:$0x3]  }
0x7f: {  	s0 =	sadd.s32 @!p0 $0x100000, s0  }
0x80: {  	[sflag:s0] =	ssyncadd.tile.s32 @!p0 $0x1;
	_ =	shalt  }
.Lfunc_end2:
_tile_overlayer_lowered:
.L_overlay_start_2:
0x81: {  	(tag) =	ssettag $0x2  }
0x82: {  	s0 =	rddreg [dreg:$0x0];
	s2 =	stileid.u32  }
0x83: {  	s1 =	rddreg [dreg:$0x1];
	p0 =	sne.s32 s2, $0x0  }
0x84: {  	s3 =	rddreg [dreg:$0x2];
	[bflag:$0x3] =	sbarrier.arrive $0xFFFF;
	s2 =	simm.s32 @!p0 $0x1C0D  }
0x85: {  	[timem:s3], [sflag:s2] =	dma.local @!p0 [hbm:s0], s1  }
0x86: {  	s0 =	simm.s32 @!p0 $0xD  }
0x87: {  	_ =	swait.ge @!p0 [sflag:s0], s1  }
0x88: {  	s1 =	ssub.s32 @!p0 $0x0, s1;
	[sflag:s0] =	ssyncset.done @!p0 $0x0  }
0x89: {  	[sflag:s0] =	ssyncadd.s32 @!p0 s1  }
0x8a: {  	[bflag:$0x3] =	sbarrier.arrive $0xFFFF  }
0x8b: {  	_ =	shalt  }

</sc_bundles>
